<compile_context>
chip_gen: v7x
topology: tpu7x:2x2x1
jax: 0.10.2.dev20260603
libtpu: 0.0.44.dev20260713+nightly
codegen_flags: <defaults>
</compile_context>

<pallas_src>
import jax
import jax.numpy as jnp
from jax import lax
from jax.experimental import pallas as pl
from jax.experimental.pallas import tpu as pltpu
from jax.experimental.pallas import tpu_sc as plsc

B, S, D = 4, 4096, 1024
R = 2048
OUT_ROWS = B * (R + 1)
NT = D // 128

NC, NS = 2, 16
NW = NC * NS
RPW = (B * R) // NW
G = 16
NCHUNK = RPW // G
NBUF = 2

def _body(val_hbm, pos_hbm, ridx_hbm, out_hbm,
          ridx_v, pidx_v, vidx_v, oidx_v,
          grows_v, gprows_v, gsrows_v, vrows, prows, srows,
          sem_v0, sem_v1, sem_p0, sem_p1, sem_o0, sem_o1, sem_g, sem_r):
  wid = lax.axis_index("s") * NC + lax.axis_index("c")
  b = wid // (NW // B)
  t0 = wid * RPW
  lane = lax.iota(jnp.int32, 16)

  is_g = lax.rem(wid, NW // B) == lax.rem(b, 2)

  @pl.when(is_g)
  def _():
    pltpu.async_copy(
        val_hbm.at[pl.ds(pl.multiple_of(b * S, 8), 1)], grows_v, sem_g)
    pltpu.async_copy(pos_hbm.at[pl.ds(0, 1)], gprows_v, sem_g)

  tq = pl.multiple_of((wid % (NW // B)) * 2 * B * 128 + b * 128, 128)
  cp_r0 = pltpu.async_copy(ridx_hbm.at[pl.ds(tq, 128)],
                           ridx_v.at[pl.ds(0, 128)], sem_r)
  cp_r1 = pltpu.async_copy(ridx_hbm.at[pl.ds(tq + B * 128, 128)],
                           ridx_v.at[pl.ds(128, 128)], sem_r)


  base_p1 = t0 - b * R + 1
  cp_r0.wait()
  cp_r1.wait()

  @plsc.parallel_loop(0, NCHUNK, 1, unroll=2)
  def _(k):
    pr = ridx_v[pl.ds(pl.multiple_of(k * G, 16), 16)] + 1
    pidx_v[k, pl.ds(0, 16)] = pr
    vidx_v[k, pl.ds(0, 16)] = pr + b * S

  sem_v = (sem_v0, sem_v1)
  sem_p = (sem_p0, sem_p1)
  sem_o = (sem_o0, sem_o1)

  def fire_gather(c, ib):
    pltpu.async_copy(val_hbm.at[vidx_v.at[c]], vrows.at[ib], sem_v[ib])
    pltpu.async_copy(pos_hbm.at[pidx_v.at[c]], prows.at[ib], sem_p[ib])

  def wait_gather(ib):
    pltpu.make_async_copy(
        val_hbm.at[vidx_v.at[0]], vrows.at[ib], sem_v[ib]).wait()
    pltpu.make_async_copy(
        pos_hbm.at[pidx_v.at[0]], prows.at[ib], sem_p[ib]).wait()

  def fire_scatter(c, ib):
    pltpu.async_copy(srows.at[ib], out_hbm.at[oidx_v.at[c]], sem_o[ib])

  def wait_scatter(ib):
    pltpu.make_async_copy(
        srows.at[ib], out_hbm.at[oidx_v.at[0]], sem_o[ib]).wait()

  def add_chunk(ib):
    @plsc.parallel_loop(0, G * (D // 16), 1, unroll=8)
    def _(u):
      i = u >> 6
      o = pl.multiple_of((u & (D // 16 - 1)) << 4, 16)
      oo = pl.multiple_of((u & 7) << 4, 16)
      srow_v = vrows[ib, i, pl.ds(o, 16)] + prows[ib, i, pl.ds(o, 16)]
      srows[ib, (i << 3) + ((u >> 3) & (NT - 1)), pl.ds(oo, 16)] = srow_v

  fire_gather(0, 0)

  @plsc.parallel_loop(0, NCHUNK * (G * NT // 16), 1, unroll=2)
  def _(w):
    k = w >> 3
    s = lane + ((w & 7) << 4)
    oidx_v[k, pl.ds(pl.multiple_of((w & 7) << 4, 16), 16)] = (
        ((base_p1 + k * G + (s >> 3)) << 5) + ((s & 7) << 2) + b)

  fire_gather(1, 1)
  wait_gather(0)
  add_chunk(0)
  fire_scatter(0, 0)

  fire_gather(2, 0)
  wait_gather(1)
  add_chunk(1)
  fire_scatter(1, 1)

  @pl.loop(1, (NCHUNK - 2) // 2)
  def _(cc):
    ca = 2 * cc
    fire_gather(ca + 1, 1)
    wait_gather(0)
    wait_scatter(0)
    add_chunk(0)
    fire_scatter(ca, 0)
    fire_gather(ca + 2, 0)
    wait_gather(1)
    wait_scatter(1)
    add_chunk(1)
    fire_scatter(ca + 1, 1)

  fire_gather(NCHUNK - 1, 1)
  wait_gather(0)
  wait_scatter(0)
  add_chunk(0)
  fire_scatter(NCHUNK - 2, 0)

  wait_gather(1)
  wait_scatter(1)
  add_chunk(1)
  fire_scatter(NCHUNK - 1, 1)

  wait_scatter(0)
  wait_scatter(1)

  @pl.when(is_g)
  def _():
    pltpu.make_async_copy(
        val_hbm.at[pl.ds(0, 1)], grows_v, sem_g).wait()
    pltpu.make_async_copy(pos_hbm.at[pl.ds(0, 1)], gprows_v, sem_g).wait()

    @plsc.parallel_loop(0, D // 16, 1, unroll=4)
    def _(u):
      o = pl.multiple_of(u << 4, 16)
      oo = pl.multiple_of((u & 7) << 4, 16)
      t = (u >> 3) & (NT - 1)
      gsrow_v = grows_v[0, pl.ds(o, 16)] + gprows_v[0, pl.ds(o, 16)]
      gsrows_v[t, pl.ds(oo, 16)] = gsrow_v
      gsrows_v[t + NT, pl.ds(oo, 16)] = gsrow_v

    goidx = ((lane & (NT - 1)) << 2) + b
    cp_o = pltpu.async_copy(gsrows_v, out_hbm.at[goidx], sem_g)
    cp_o.wait()


@jax.jit
def _run(val2, pos_emb, ridx):
  mesh = plsc.VectorSubcoreMesh(core_axis_name="c", subcore_axis_name="s")
  f = pl.kernel(
      _body,
      out_type=jax.ShapeDtypeStruct((OUT_ROWS * NT, 128), jnp.float32),
      mesh=mesh,
      scratch_types=[
          pltpu.VMEM((RPW,), jnp.int32),
          pltpu.VMEM((NCHUNK, G), jnp.int32),
          pltpu.VMEM((NCHUNK, G), jnp.int32),
          pltpu.VMEM((NCHUNK, G * NT), jnp.int32),
          pltpu.VMEM((1, D), jnp.float32),
          pltpu.VMEM((1, D), jnp.float32),
          pltpu.VMEM((2 * NT, 128), jnp.float32),
          pltpu.VMEM((NBUF, G, D), jnp.float32),
          pltpu.VMEM((NBUF, G, D), jnp.float32),
          pltpu.VMEM((NBUF, G * NT, 128), jnp.float32),
          pltpu.SemaphoreType.DMA,
          pltpu.SemaphoreType.DMA,
          pltpu.SemaphoreType.DMA,
          pltpu.SemaphoreType.DMA,
          pltpu.SemaphoreType.DMA,
          pltpu.SemaphoreType.DMA,
          pltpu.SemaphoreType.DMA,
          pltpu.SemaphoreType.DMA,
      ],
  )
  return f(val2, pos_emb, ridx)


def kernel(val, pos_emb, remain_idx):
  val2 = val.reshape(B * S, D)
  ridx = (remain_idx.astype(jnp.int32)
          .reshape(B, R // 128, 128)
          .transpose(1, 0, 2)
          .reshape(B * R))
  out128 = _run(val2, pos_emb, ridx)
  return (out128.reshape(R + 1, NT, B, 128)
          .transpose(2, 0, 1, 3)
          .reshape(B, R + 1, D))

# --- scband reference (transcript-rebuilt; emitter-appended) ---
"""Pipeline reference for scband-nlp-remain-4715874091626 (READ-ONLY COPY).

The authoritative reference and input builder live on the scoring server;
editing this copy changes nothing except your own understanding.
"""

import jax, jax.numpy as jnp
import numpy as np

B, S, D = 4, 4096, 1024
REMAIN = 2048

def setup_inputs(seed: int = 0) -> dict:
    key = jax.random.key(seed)
    k1, k2, k3 = jax.random.split(key, 3)
    val = jax.random.normal(k1, (B, S, D), dtype=jnp.float32)
    pos_emb = jax.random.normal(k2, (S, D), dtype=jnp.float32)
    # remain_idx indexes into val[:, 1:, :] which has length S-1 = 4095
    remain_idx = jax.random.randint(k3, (B, REMAIN), 0, S - 1, dtype=jnp.int64)
    return {"val": val, "pos_emb": pos_emb, "remain_idx": remain_idx}

def reference(val, pos_emb, remain_idx):
    # pos_enc: additive learned positional encoding
    val = val + pos_emb[None, :, :]
    global_token = val[:, :1, :]
    body = val[:, 1:, :]
    idx = jnp.broadcast_to(remain_idx[:, :, None], (remain_idx.shape[0], remain_idx.shape[1], body.shape[-1]))
    gathered = jnp.take_along_axis(body, idx, axis=1)
    out = jnp.concatenate([global_token, gathered], axis=1)
    return out

if __name__ == "__main__":
    import jax
    _d = setup_inputs()
    print(jax.jit(kernel)(*tuple(_d.values())))

</pallas_src>

<mosaic_0001>
#map = affine_map<(d0, d1) -> (0, 0)>
#map1 = affine_map<(d0, d1) -> (0)>
module attributes {stable_mosaic.version = 14 : i64} {
  func.func @_body(%arg0: i32, %arg1: i32, %arg2: memref<16384x1024xf32, #tpu.memory_space<hbm>>, %arg3: memref<4096x1024xf32, #tpu.memory_space<hbm>>, %arg4: memref<8192xi32, #tpu.memory_space<hbm>>, %arg5: memref<65568x128xf32, #tpu.memory_space<hbm>>, %arg6: memref<256xi32, #tpu.memory_space<vmem>>, %arg7: memref<16x16xi32, #tpu.memory_space<vmem>>, %arg8: memref<16x16xi32, #tpu.memory_space<vmem>>, %arg9: memref<16x128xi32, #tpu.memory_space<vmem>>, %arg10: memref<1x1024xf32, #tpu.memory_space<vmem>>, %arg11: memref<1x1024xf32, #tpu.memory_space<vmem>>, %arg12: memref<16x128xf32, #tpu.memory_space<vmem>>, %arg13: memref<2x16x1024xf32, #tpu.memory_space<vmem>>, %arg14: memref<2x16x1024xf32, #tpu.memory_space<vmem>>, %arg15: memref<2x128x128xf32, #tpu.memory_space<vmem>>, %arg16: memref<!tpu.dma_semaphore, #tpu.memory_space<semaphore_mem>>, %arg17: memref<!tpu.dma_semaphore, #tpu.memory_space<semaphore_mem>>, %arg18: memref<!tpu.dma_semaphore, #tpu.memory_space<semaphore_mem>>, %arg19: memref<!tpu.dma_semaphore, #tpu.memory_space<semaphore_mem>>, %arg20: memref<!tpu.dma_semaphore, #tpu.memory_space<semaphore_mem>>, %arg21: memref<!tpu.dma_semaphore, #tpu.memory_space<semaphore_mem>>, %arg22: memref<!tpu.dma_semaphore, #tpu.memory_space<semaphore_mem>>, %arg23: memref<!tpu.dma_semaphore, #tpu.memory_space<semaphore_mem>>) attributes {dimension_semantics = [#tpu.dimension_semantics<core_parallel>, #tpu.dimension_semantics<subcore_parallel>], iteration_bounds = array<i64: 2, 16>, scalar_prefetch = 0 : i64, scratch_operands = 18 : i64, tpu.core_type = #tpu.core_type<sc_vector_subcore>, window_params = [{transform_indices = #map}, {transform_indices = #map}, {transform_indices = #map1}, {transform_indices = #map}]} {
    %mul3A = arith.constant 2 : i32
    %mul3A_0 = arith.muli %arg1, %mul3A : i32
    %add3A = arith.addi %mul3A_0, %arg0 : i32
    %jit3A = arith.constant 8 : i32
    %div3A = arith.divsi %add3A, %jit3A : i32
    %sign3A = arith.constant 0 : i32
    %sign3A_1 = arith.cmpi sgt, %add3A, %sign3A : i32
    %sign3A_2 = arith.extui %sign3A_1 : i1 to i32
    %sign3A_3 = arith.constant 0 : i32
    %sign3A_4 = arith.cmpi slt, %add3A, %sign3A_3 : i32
    %sign3A_5 = arith.extui %sign3A_4 : i1 to i32
    %sign3A_6 = arith.subi %sign3A_2, %sign3A_5 : i32
    %sign3A_7 = arith.constant 0 : i32
    %sign3A_8 = arith.cmpi sgt, %jit3A, %sign3A_7 : i32
    %sign3A_9 = arith.extui %sign3A_8 : i1 to i32
    %sign3A_10 = arith.constant 0 : i32
    %sign3A_11 = arith.cmpi slt, %jit3A, %sign3A_10 : i32
    %sign3A_12 = arith.extui %sign3A_11 : i1 to i32
    %sign3A_13 = arith.subi %sign3A_9, %sign3A_12 : i32
    %ne3A = arith.cmpi ne, %sign3A_6, %sign3A_13 : i32
    %rem3A = arith.remsi %add3A, %jit3A : i32
    %ne3A_14 = arith.constant 0 : i32
    %ne3A_15 = arith.cmpi ne, %rem3A, %ne3A_14 : i32
    %and3A = arith.andi %ne3A, %ne3A_15 : i1
    %sub3A = arith.constant 1 : i32
    %sub3A_16 = arith.subi %div3A, %sub3A : i32
    %select_n3A = arith.select %and3A, %sub3A_16, %div3A : i32
    %mul3A_17 = arith.constant 256 : i32
    %mul3A_18 = arith.muli %add3A, %mul3A_17 : i32
    %iota3A = tpu.iota {dimensions = array<i32: 0>} : vector<16xi32>
    %rem3A_19 = arith.constant 8 : i32
    %rem3A_20 = arith.remsi %add3A, %rem3A_19 : i32
    %rem3A_21 = arith.constant 2 : i32
    %rem3A_22 = arith.remsi %select_n3A, %rem3A_21 : i32
    %eq3A = arith.cmpi eq, %rem3A_20, %rem3A_22 : i32
    %convert_element_type3A = arith.extui %eq3A : i1 to i32
    %cond3A = arith.constant 0 : i32
    %cond3A_23 = arith.cmpi ne, %convert_element_type3A, %cond3A : i32
    scf.if %cond3A_23 {
      %mul3A_389 = arith.constant 4096 : i32
      %mul3A_390 = arith.muli %select_n3A, %mul3A_389 : i32
      %multiple_of3A_391 = tpu.assume_multiple %mul3A_390, 8 : i32
      %dma_start3A_392 = arith.constant 0 : i32
      %dma_start3A_393 = tpu.memref_slice %arg2[%multiple_of3A_391, %dma_start3A_392] : memref<16384x1024xf32, #tpu.memory_space<hbm>> -> memref<1x1024xf32, #tpu.memory_space<hbm>>
      %dma_start3A_394 = arith.constant 0 : i32
      %dma_start3A_395 = tpu.memref_slice %arg2[%multiple_of3A_391, %dma_start3A_394] : memref<16384x1024xf32, #tpu.memory_space<hbm>> -> memref<1x1024xf32, #tpu.memory_space<hbm>>
      tpu.enqueue_dma source(%dma_start3A_395 : memref<1x1024xf32, #tpu.memory_space<hbm>>) target(%arg10 : memref<1x1024xf32, #tpu.memory_space<vmem>>) target_semaphore(%arg22 : memref<!tpu.dma_semaphore, #tpu.memory_space<semaphore_mem>>)
      %dma_start3A_396 = arith.constant 0 : i32
      %dma_start3A_397 = arith.constant 0 : i32
      %dma_start3A_398 = tpu.memref_slice %arg3[%dma_start3A_396, %dma_start3A_397] : memref<4096x1024xf32, #tpu.memory_space<hbm>> -> memref<1x1024xf32, #tpu.memory_space<hbm>>
      %dma_start3A_399 = arith.constant 0 : i32
      %dma_start3A_400 = arith.constant 0 : i32
      %dma_start3A_401 = tpu.memref_slice %arg3[%dma_start3A_399, %dma_start3A_400] : memref<4096x1024xf32, #tpu.memory_space<hbm>> -> memref<1x1024xf32, #tpu.memory_space<hbm>>
      tpu.enqueue_dma source(%dma_start3A_401 : memref<1x1024xf32, #tpu.memory_space<hbm>>) target(%arg11 : memref<1x1024xf32, #tpu.memory_space<vmem>>) target_semaphore(%arg22 : memref<!tpu.dma_semaphore, #tpu.memory_space<semaphore_mem>>)
    } else {
    }
    %jit3A_24 = arith.constant 8 : i32
    %eq3A_25 = arith.constant 0 : i32
    %eq3A_26 = arith.cmpi eq, %jit3A_24, %eq3A_25 : i32
    %jit3A_27 = arith.constant 1 : i32
    %select_n3A_28 = arith.select %eq3A_26, %jit3A_27, %jit3A_24 : i32
    %rem3A_29 = arith.remsi %add3A, %select_n3A_28 : i32
    %ne3A_30 = arith.constant 0 : i32
    %ne3A_31 = arith.cmpi ne, %rem3A_29, %ne3A_30 : i32
    %lt3A = arith.constant 0 : i32
    %lt3A_32 = arith.cmpi slt, %rem3A_29, %lt3A : i32
    %lt3A_33 = arith.constant 0 : i32
    %lt3A_34 = arith.cmpi slt, %select_n3A_28, %lt3A_33 : i32
    %ne3A_35 = arith.xori %lt3A_32, %lt3A_34 : i1
    %and3A_36 = arith.andi %ne3A_35, %ne3A_31 : i1
    %add3A_37 = arith.addi %rem3A_29, %select_n3A_28 : i32
    %select_n3A_38 = arith.select %and3A_36, %add3A_37, %rem3A_29 : i32
    %mul3A_39 = arith.constant 2 : i32
    %mul3A_40 = arith.muli %select_n3A_38, %mul3A_39 : i32
    %mul3A_41 = arith.constant 4 : i32
    %mul3A_42 = arith.muli %mul3A_40, %mul3A_41 : i32
    %mul3A_43 = arith.constant 128 : i32
    %mul3A_44 = arith.muli %mul3A_42, %mul3A_43 : i32
    %mul3A_45 = arith.constant 128 : i32
    %mul3A_46 = arith.muli %select_n3A, %mul3A_45 : i32
    %add3A_47 = arith.addi %mul3A_44, %mul3A_46 : i32
    %multiple_of3A = tpu.assume_multiple %add3A_47, 128 : i32
    %dma_start3A = arith.constant 0 : i32
    %dma_start3A_48 = tpu.memref_slice %arg6[%dma_start3A] : memref<256xi32, #tpu.memory_space<vmem>> -> memref<128xi32, #tpu.memory_space<vmem>>
    %dma_start3A_49 = tpu.memref_slice %arg4[%multiple_of3A] : memref<8192xi32, #tpu.memory_space<hbm>> -> memref<128xi32, #tpu.memory_space<hbm>>
    %dma_start3A_50 = arith.constant 0 : i32
    %dma_start3A_51 = tpu.memref_slice %arg6[%dma_start3A_50] : memref<256xi32, #tpu.memory_space<vmem>> -> memref<128xi32, #tpu.memory_space<vmem>>
    %dma_start3A_52 = tpu.memref_slice %arg4[%multiple_of3A] : memref<8192xi32, #tpu.memory_space<hbm>> -> memref<128xi32, #tpu.memory_space<hbm>>
    tpu.enqueue_dma source(%dma_start3A_52 : memref<128xi32, #tpu.memory_space<hbm>>) target(%dma_start3A_51 : memref<128xi32, #tpu.memory_space<vmem>>) target_semaphore(%arg23 : memref<!tpu.dma_semaphore, #tpu.memory_space<semaphore_mem>>)
    %add3A_53 = arith.constant 512 : i32
    %add3A_54 = arith.addi %multiple_of3A, %add3A_53 : i32
    %dma_start3A_55 = arith.constant 128 : i32
    %dma_start3A_56 = tpu.memref_slice %arg6[%dma_start3A_55] : memref<256xi32, #tpu.memory_space<vmem>> -> memref<128xi32, #tpu.memory_space<vmem>>
    %dma_start3A_57 = tpu.memref_slice %arg4[%add3A_54] : memref<8192xi32, #tpu.memory_space<hbm>> -> memref<128xi32, #tpu.memory_space<hbm>>
    %dma_start3A_58 = arith.constant 128 : i32
    %dma_start3A_59 = tpu.memref_slice %arg6[%dma_start3A_58] : memref<256xi32, #tpu.memory_space<vmem>> -> memref<128xi32, #tpu.memory_space<vmem>>
    %dma_start3A_60 = tpu.memref_slice %arg4[%add3A_54] : memref<8192xi32, #tpu.memory_space<hbm>> -> memref<128xi32, #tpu.memory_space<hbm>>
    tpu.enqueue_dma source(%dma_start3A_60 : memref<128xi32, #tpu.memory_space<hbm>>) target(%dma_start3A_59 : memref<128xi32, #tpu.memory_space<vmem>>) target_semaphore(%arg23 : memref<!tpu.dma_semaphore, #tpu.memory_space<semaphore_mem>>)
    %mul3A_61 = arith.constant 2048 : i32
    %mul3A_62 = arith.muli %select_n3A, %mul3A_61 : i32
    %sub3A_63 = arith.subi %mul3A_18, %mul3A_62 : i32
    %add3A_64 = arith.constant 1 : i32
    %add3A_65 = arith.addi %sub3A_63, %add3A_64 : i32
    %dma_wait3A = arith.constant 0 : i32
    %dma_wait3A_66 = tpu.memref_slice %arg6[%dma_wait3A] : memref<256xi32, #tpu.memory_space<vmem>> -> memref<128xi32, #tpu.memory_space<vmem>>
    %dma_wait3A_67 = tpu.memref_slice %arg4[%multiple_of3A] : memref<8192xi32, #tpu.memory_space<hbm>> -> memref<128xi32, #tpu.memory_space<hbm>>
    %dma_wait3A_68 = arith.constant 0 : i32
    %dma_wait3A_69 = tpu.memref_slice %arg6[%dma_wait3A_68] : memref<256xi32, #tpu.memory_space<vmem>> -> memref<128xi32, #tpu.memory_space<vmem>>
    %dma_wait3A_70 = tpu.memref_slice %arg4[%multiple_of3A] : memref<8192xi32, #tpu.memory_space<hbm>> -> memref<128xi32, #tpu.memory_space<hbm>>
    tpu.wait_dma2 semaphore(%arg23 : memref<!tpu.dma_semaphore, #tpu.memory_space<semaphore_mem>>) src(%dma_wait3A_70 : memref<128xi32, #tpu.memory_space<hbm>>) dst(%dma_wait3A_69 : memref<128xi32, #tpu.memory_space<vmem>>)
    %dma_wait3A_71 = arith.constant 128 : i32
    %dma_wait3A_72 = tpu.memref_slice %arg6[%dma_wait3A_71] : memref<256xi32, #tpu.memory_space<vmem>> -> memref<128xi32, #tpu.memory_space<vmem>>
    %dma_wait3A_73 = tpu.memref_slice %arg4[%add3A_54] : memref<8192xi32, #tpu.memory_space<hbm>> -> memref<128xi32, #tpu.memory_space<hbm>>
    %dma_wait3A_74 = arith.constant 128 : i32
    %dma_wait3A_75 = tpu.memref_slice %arg6[%dma_wait3A_74] : memref<256xi32, #tpu.memory_space<vmem>> -> memref<128xi32, #tpu.memory_space<vmem>>
    %dma_wait3A_76 = tpu.memref_slice %arg4[%add3A_54] : memref<8192xi32, #tpu.memory_space<hbm>> -> memref<128xi32, #tpu.memory_space<hbm>>
    tpu.wait_dma2 semaphore(%arg23 : memref<!tpu.dma_semaphore, #tpu.memory_space<semaphore_mem>>) src(%dma_wait3A_76 : memref<128xi32, #tpu.memory_space<hbm>>) dst(%dma_wait3A_75 : memref<128xi32, #tpu.memory_space<vmem>>)
    %parallel_loop3A = arith.constant 0 : i32
    %parallel_loop3A_77 = arith.constant 16 : i32
    %parallel_loop3A_78 = arith.constant 1 : i32
    scf.for %parallel_loop3A_389 = %parallel_loop3A to %parallel_loop3A_77 step %parallel_loop3A_78  : i32 {
      %parallel_loop3A_390 = arith.constant 16 : i32
      %parallel_loop3A_391 = arith.muli %parallel_loop3A_389, %parallel_loop3A_390 : i32
      %parallel_loop3A_392 = tpu.assume_multiple %parallel_loop3A_391, 16 : i32
      %parallel_loop3A_393 = arith.index_cast %parallel_loop3A_392 : i32 to index
      %parallel_loop3A_394 = tpu.vector_load %arg6[%parallel_loop3A_393] {strides = array<i32>} : memref<256xi32, #tpu.memory_space<vmem>>, vector<16xi32>,
      %parallel_loop3A_395 = vector.shape_cast %parallel_loop3A_394 : vector<16xi32> to vector<16xi32>
      %parallel_loop3A_396 = arith.constant 1 : i32
      %parallel_loop3A_397 = vector.broadcast %parallel_loop3A_396 : i32 to vector<16xi32>
      %parallel_loop3A_398 = arith.addi %parallel_loop3A_395, %parallel_loop3A_397 : vector<16xi32>
      %parallel_loop3A_399 = arith.index_cast %parallel_loop3A_389 : i32 to index
      %parallel_loop3A_400 = arith.constant 0 : index
      %parallel_loop3A_401 = tpu.vector_load %arg7[%parallel_loop3A_399, %parallel_loop3A_400] {strides = array<i32>} : memref<16x16xi32, #tpu.memory_space<vmem>>, vector<1x16xi32>,
      %parallel_loop3A_402 = vector.shape_cast %parallel_loop3A_401 : vector<1x16xi32> to vector<16xi32>
      %parallel_loop3A_403 = vector.shape_cast %parallel_loop3A_398 : vector<16xi32> to vector<1x16xi32>
      tpu.vector_store %arg7[%parallel_loop3A_399, %parallel_loop3A_400], %parallel_loop3A_403 {strides = array<i32>} : memref<16x16xi32, #tpu.memory_space<vmem>>, vector<1x16xi32>,
      %parallel_loop3A_404 = arith.constant 4096 : i32
      %parallel_loop3A_405 = arith.muli %select_n3A, %parallel_loop3A_404 : i32
      %parallel_loop3A_406 = vector.broadcast %parallel_loop3A_405 : i32 to vector<16xi32>
      %parallel_loop3A_407 = arith.addi %parallel_loop3A_398, %parallel_loop3A_406 : vector<16xi32>
      %parallel_loop3A_408 = arith.index_cast %parallel_loop3A_389 : i32 to index
      %parallel_loop3A_409 = arith.constant 0 : index
      %parallel_loop3A_410 = tpu.vector_load %arg8[%parallel_loop3A_408, %parallel_loop3A_409] {strides = array<i32>} : memref<16x16xi32, #tpu.memory_space<vmem>>, vector<1x16xi32>,
      %parallel_loop3A_411 = vector.shape_cast %parallel_loop3A_410 : vector<1x16xi32> to vector<16xi32>
      %parallel_loop3A_412 = vector.shape_cast %parallel_loop3A_407 : vector<16xi32> to vector<1x16xi32>
      tpu.vector_store %arg8[%parallel_loop3A_408, %parallel_loop3A_409], %parallel_loop3A_412 {strides = array<i32>} : memref<16x16xi32, #tpu.memory_space<vmem>>, vector<1x16xi32>,
    } {sc.loop_unroll_factor = 2 : i64, sc.parallel_access}
    %dma_start3A_79 = arith.constant 0 : i32
    %dma_start3A_80 = arith.constant 0 : i32
    %dma_start3A_81 = arith.constant 0 : i32
    %dma_start3A_82 = arith.constant 0 : i32
    %dma_start3A_83 = tpu.memref_slice %arg13[%dma_start3A_80, %dma_start3A_81, %dma_start3A_82] : memref<2x16x1024xf32, #tpu.memory_space<vmem>> -> memref<1x16x1024xf32, #tpu.memory_space<vmem>>
    %dma_start3A_84 = tpu.memref_squeeze %dma_start3A_83 : memref<1x16x1024xf32, #tpu.memory_space<vmem>> -> memref<16x1024xf32, #tpu.memory_space<vmem>>
    %dma_start3A_85 = arith.constant 0 : i32
    %dma_start3A_86 = tpu.memref_slice %arg8[%dma_start3A_79, %dma_start3A_85] : memref<16x16xi32, #tpu.memory_space<vmem>> -> memref<1x16xi32, #tpu.memory_space<vmem>>
    %dma_start3A_87 = tpu.memref_squeeze %dma_start3A_86 : memref<1x16xi32, #tpu.memory_space<vmem>> -> memref<16xi32, #tpu.memory_space<vmem>>
    %dma_start3A_88 = arith.constant 0 : i32
    %dma_start3A_89 = arith.constant 0 : i32
    %dma_start3A_90 = tpu.memref_slice %arg2[%dma_start3A_88, %dma_start3A_89] : memref<16384x1024xf32, #tpu.memory_space<hbm>> -> memref<16384x1024xf32, #tpu.memory_space<hbm>>
    tpu.enqueue_indirect_dma source(%dma_start3A_90 : memref<16384x1024xf32, #tpu.memory_space<hbm>>) target(%dma_start3A_84 : memref<16x1024xf32, #tpu.memory_space<vmem>>) offsets(%dma_start3A_87 : memref<16xi32, #tpu.memory_space<vmem>>) semaphore(%arg16 : memref<!tpu.dma_semaphore, #tpu.memory_space<semaphore_mem>>)
    %dma_start3A_91 = arith.constant 0 : i32
    %dma_start3A_92 = arith.constant 0 : i32
    %dma_start3A_93 = arith.constant 0 : i32
    %dma_start3A_94 = arith.constant 0 : i32
    %dma_start3A_95 = tpu.memref_slice %arg14[%dma_start3A_92, %dma_start3A_93, %dma_start3A_94] : memref<2x16x1024xf32, #tpu.memory_space<vmem>> -> memref<1x16x1024xf32, #tpu.memory_space<vmem>>
    %dma_start3A_96 = tpu.memref_squeeze %dma_start3A_95 : memref<1x16x1024xf32, #tpu.memory_space<vmem>> -> memref<16x1024xf32, #tpu.memory_space<vmem>>
    %dma_start3A_97 = arith.constant 0 : i32
    %dma_start3A_98 = tpu.memref_slice %arg7[%dma_start3A_91, %dma_start3A_97] : memref<16x16xi32, #tpu.memory_space<vmem>> -> memref<1x16xi32, #tpu.memory_space<vmem>>
    %dma_start3A_99 = tpu.memref_squeeze %dma_start3A_98 : memref<1x16xi32, #tpu.memory_space<vmem>> -> memref<16xi32, #tpu.memory_space<vmem>>
    %dma_start3A_100 = arith.constant 0 : i32
    %dma_start3A_101 = arith.constant 0 : i32
    %dma_start3A_102 = tpu.memref_slice %arg3[%dma_start3A_100, %dma_start3A_101] : memref<4096x1024xf32, #tpu.memory_space<hbm>> -> memref<4096x1024xf32, #tpu.memory_space<hbm>>
    tpu.enqueue_indirect_dma source(%dma_start3A_102 : memref<4096x1024xf32, #tpu.memory_space<hbm>>) target(%dma_start3A_96 : memref<16x1024xf32, #tpu.memory_space<vmem>>) offsets(%dma_start3A_99 : memref<16xi32, #tpu.memory_space<vmem>>) semaphore(%arg18 : memref<!tpu.dma_semaphore, #tpu.memory_space<semaphore_mem>>)
    %parallel_loop3A_103 = arith.constant 0 : i32
    %parallel_loop3A_104 = arith.constant 128 : i32
    %parallel_loop3A_105 = arith.constant 1 : i32
    scf.for %parallel_loop3A_389 = %parallel_loop3A_103 to %parallel_loop3A_104 step %parallel_loop3A_105  : i32 {
      %parallel_loop3A_390 = arith.constant 3 : i32
      %parallel_loop3A_391 = arith.shrsi %parallel_loop3A_389, %parallel_loop3A_390 : i32
      %parallel_loop3A_392 = arith.constant 7 : i32
      %parallel_loop3A_393 = arith.andi %parallel_loop3A_389, %parallel_loop3A_392 : i32
      %parallel_loop3A_394 = arith.constant 4 : i32
      %parallel_loop3A_395 = arith.shli %parallel_loop3A_393, %parallel_loop3A_394 : i32
      %parallel_loop3A_396 = vector.broadcast %parallel_loop3A_395 : i32 to vector<16xi32>
      %parallel_loop3A_397 = arith.addi %iota3A, %parallel_loop3A_396 : vector<16xi32>
      %parallel_loop3A_398 = arith.constant 16 : i32
      %parallel_loop3A_399 = arith.muli %parallel_loop3A_391, %parallel_loop3A_398 : i32
      %parallel_loop3A_400 = arith.addi %add3A_65, %parallel_loop3A_399 : i32
      %parallel_loop3A_401 = arith.constant 3 : i32
      %parallel_loop3A_402 = vector.broadcast %parallel_loop3A_401 : i32 to vector<16xi32>
      %parallel_loop3A_403 = arith.shrsi %parallel_loop3A_397, %parallel_loop3A_402 : vector<16xi32>
      %parallel_loop3A_404 = vector.broadcast %parallel_loop3A_400 : i32 to vector<16xi32>
      %parallel_loop3A_405 = arith.addi %parallel_loop3A_404, %parallel_loop3A_403 : vector<16xi32>
      %parallel_loop3A_406 = arith.constant 5 : i32
      %parallel_loop3A_407 = vector.broadcast %parallel_loop3A_406 : i32 to vector<16xi32>
      %parallel_loop3A_408 = arith.shli %parallel_loop3A_405, %parallel_loop3A_407 : vector<16xi32>
      %parallel_loop3A_409 = arith.constant 7 : i32
      %parallel_loop3A_410 = vector.broadcast %parallel_loop3A_409 : i32 to vector<16xi32>
      %parallel_loop3A_411 = arith.andi %parallel_loop3A_397, %parallel_loop3A_410 : vector<16xi32>
      %parallel_loop3A_412 = arith.constant 2 : i32
      %parallel_loop3A_413 = vector.broadcast %parallel_loop3A_412 : i32 to vector<16xi32>
      %parallel_loop3A_414 = arith.shli %parallel_loop3A_411, %parallel_loop3A_413 : vector<16xi32>
      %parallel_loop3A_415 = arith.addi %parallel_loop3A_408, %parallel_loop3A_414 : vector<16xi32>
      %parallel_loop3A_416 = vector.broadcast %select_n3A : i32 to vector<16xi32>
      %parallel_loop3A_417 = arith.addi %parallel_loop3A_415, %parallel_loop3A_416 : vector<16xi32>
      %parallel_loop3A_418 = arith.constant 7 : i32
      %parallel_loop3A_419 = arith.andi %parallel_loop3A_389, %parallel_loop3A_418 : i32
      %parallel_loop3A_420 = arith.constant 4 : i32
      %parallel_loop3A_421 = arith.shli %parallel_loop3A_419, %parallel_loop3A_420 : i32
      %parallel_loop3A_422 = tpu.assume_multiple %parallel_loop3A_421, 16 : i32
      %parallel_loop3A_423 = arith.index_cast %parallel_loop3A_391 : i32 to index
      %parallel_loop3A_424 = arith.index_cast %parallel_loop3A_422 : i32 to index
      %parallel_loop3A_425 = tpu.vector_load %arg9[%parallel_loop3A_423, %parallel_loop3A_424] {strides = array<i32>} : memref<16x128xi32, #tpu.memory_space<vmem>>, vector<1x16xi32>,
      %parallel_loop3A_426 = vector.shape_cast %parallel_loop3A_425 : vector<1x16xi32> to vector<16xi32>
      %parallel_loop3A_427 = vector.shape_cast %parallel_loop3A_417 : vector<16xi32> to vector<1x16xi32>
      tpu.vector_store %arg9[%parallel_loop3A_423, %parallel_loop3A_424], %parallel_loop3A_427 {strides = array<i32>} : memref<16x128xi32, #tpu.memory_space<vmem>>, vector<1x16xi32>,
    } {sc.loop_unroll_factor = 2 : i64, sc.parallel_access}
    %dma_start3A_106 = arith.constant 1 : i32
    %dma_start3A_107 = arith.constant 1 : i32
    %dma_start3A_108 = arith.constant 0 : i32
    %dma_start3A_109 = arith.constant 0 : i32
    %dma_start3A_110 = tpu.memref_slice %arg13[%dma_start3A_107, %dma_start3A_108, %dma_start3A_109] : memref<2x16x1024xf32, #tpu.memory_space<vmem>> -> memref<1x16x1024xf32, #tpu.memory_space<vmem>>
    %dma_start3A_111 = tpu.memref_squeeze %dma_start3A_110 : memref<1x16x1024xf32, #tpu.memory_space<vmem>> -> memref<16x1024xf32, #tpu.memory_space<vmem>>
    %dma_start3A_112 = arith.constant 0 : i32
    %dma_start3A_113 = tpu.memref_slice %arg8[%dma_start3A_106, %dma_start3A_112] : memref<16x16xi32, #tpu.memory_space<vmem>> -> memref<1x16xi32, #tpu.memory_space<vmem>>
    %dma_start3A_114 = tpu.memref_squeeze %dma_start3A_113 : memref<1x16xi32, #tpu.memory_space<vmem>> -> memref<16xi32, #tpu.memory_space<vmem>>
    %dma_start3A_115 = arith.constant 0 : i32
    %dma_start3A_116 = arith.constant 0 : i32
    %dma_start3A_117 = tpu.memref_slice %arg2[%dma_start3A_115, %dma_start3A_116] : memref<16384x1024xf32, #tpu.memory_space<hbm>> -> memref<16384x1024xf32, #tpu.memory_space<hbm>>
    tpu.enqueue_indirect_dma source(%dma_start3A_117 : memref<16384x1024xf32, #tpu.memory_space<hbm>>) target(%dma_start3A_111 : memref<16x1024xf32, #tpu.memory_space<vmem>>) offsets(%dma_start3A_114 : memref<16xi32, #tpu.memory_space<vmem>>) semaphore(%arg17 : memref<!tpu.dma_semaphore, #tpu.memory_space<semaphore_mem>>)
    %dma_start3A_118 = arith.constant 1 : i32
    %dma_start3A_119 = arith.constant 1 : i32
    %dma_start3A_120 = arith.constant 0 : i32
    %dma_start3A_121 = arith.constant 0 : i32
    %dma_start3A_122 = tpu.memref_slice %arg14[%dma_start3A_119, %dma_start3A_120, %dma_start3A_121] : memref<2x16x1024xf32, #tpu.memory_space<vmem>> -> memref<1x16x1024xf32, #tpu.memory_space<vmem>>
    %dma_start3A_123 = tpu.memref_squeeze %dma_start3A_122 : memref<1x16x1024xf32, #tpu.memory_space<vmem>> -> memref<16x1024xf32, #tpu.memory_space<vmem>>
    %dma_start3A_124 = arith.constant 0 : i32
    %dma_start3A_125 = tpu.memref_slice %arg7[%dma_start3A_118, %dma_start3A_124] : memref<16x16xi32, #tpu.memory_space<vmem>> -> memref<1x16xi32, #tpu.memory_space<vmem>>
    %dma_start3A_126 = tpu.memref_squeeze %dma_start3A_125 : memref<1x16xi32, #tpu.memory_space<vmem>> -> memref<16xi32, #tpu.memory_space<vmem>>
    %dma_start3A_127 = arith.constant 0 : i32
    %dma_start3A_128 = arith.constant 0 : i32
    %dma_start3A_129 = tpu.memref_slice %arg3[%dma_start3A_127, %dma_start3A_128] : memref<4096x1024xf32, #tpu.memory_space<hbm>> -> memref<4096x1024xf32, #tpu.memory_space<hbm>>
    tpu.enqueue_indirect_dma source(%dma_start3A_129 : memref<4096x1024xf32, #tpu.memory_space<hbm>>) target(%dma_start3A_123 : memref<16x1024xf32, #tpu.memory_space<vmem>>) offsets(%dma_start3A_126 : memref<16xi32, #tpu.memory_space<vmem>>) semaphore(%arg19 : memref<!tpu.dma_semaphore, #tpu.memory_space<semaphore_mem>>)
    %dma_wait3A_130 = arith.constant 0 : i32
    %dma_wait3A_131 = arith.constant 0 : i32
    %dma_wait3A_132 = arith.constant 0 : i32
    %dma_wait3A_133 = arith.constant 0 : i32
    %dma_wait3A_134 = tpu.memref_slice %arg13[%dma_wait3A_131, %dma_wait3A_132, %dma_wait3A_133] : memref<2x16x1024xf32, #tpu.memory_space<vmem>> -> memref<1x16x1024xf32, #tpu.memory_space<vmem>>
    %dma_wait3A_135 = tpu.memref_squeeze %dma_wait3A_134 : memref<1x16x1024xf32, #tpu.memory_space<vmem>> -> memref<16x1024xf32, #tpu.memory_space<vmem>>
    %dma_wait3A_136 = arith.constant 0 : i32
    %dma_wait3A_137 = tpu.memref_slice %arg8[%dma_wait3A_130, %dma_wait3A_136] : memref<16x16xi32, #tpu.memory_space<vmem>> -> memref<1x16xi32, #tpu.memory_space<vmem>>
    %dma_wait3A_138 = tpu.memref_squeeze %dma_wait3A_137 : memref<1x16xi32, #tpu.memory_space<vmem>> -> memref<16xi32, #tpu.memory_space<vmem>>
    %dma_wait3A_139 = arith.constant 0 : i32
    %dma_wait3A_140 = arith.constant 0 : i32
    %dma_wait3A_141 = tpu.memref_slice %arg2[%dma_wait3A_139, %dma_wait3A_140] : memref<16384x1024xf32, #tpu.memory_space<hbm>> -> memref<16384x1024xf32, #tpu.memory_space<hbm>>
    tpu.wait_indirect_dma semaphore(%arg16 : memref<!tpu.dma_semaphore, #tpu.memory_space<semaphore_mem>>) src(%dma_wait3A_141 : memref<16384x1024xf32, #tpu.memory_space<hbm>>) dst(%dma_wait3A_135 : memref<16x1024xf32, #tpu.memory_space<vmem>>)
    %dma_wait3A_142 = arith.constant 0 : i32
    %dma_wait3A_143 = arith.constant 0 : i32
    %dma_wait3A_144 = arith.constant 0 : i32
    %dma_wait3A_145 = arith.constant 0 : i32
    %dma_wait3A_146 = tpu.memref_slice %arg14[%dma_wait3A_143, %dma_wait3A_144, %dma_wait3A_145] : memref<2x16x1024xf32, #tpu.memory_space<vmem>> -> memref<1x16x1024xf32, #tpu.memory_space<vmem>>
    %dma_wait3A_147 = tpu.memref_squeeze %dma_wait3A_146 : memref<1x16x1024xf32, #tpu.memory_space<vmem>> -> memref<16x1024xf32, #tpu.memory_space<vmem>>
    %dma_wait3A_148 = arith.constant 0 : i32
    %dma_wait3A_149 = tpu.memref_slice %arg7[%dma_wait3A_142, %dma_wait3A_148] : memref<16x16xi32, #tpu.memory_space<vmem>> -> memref<1x16xi32, #tpu.memory_space<vmem>>
    %dma_wait3A_150 = tpu.memref_squeeze %dma_wait3A_149 : memref<1x16xi32, #tpu.memory_space<vmem>> -> memref<16xi32, #tpu.memory_space<vmem>>
    %dma_wait3A_151 = arith.constant 0 : i32
    %dma_wait3A_152 = arith.constant 0 : i32
    %dma_wait3A_153 = tpu.memref_slice %arg3[%dma_wait3A_151, %dma_wait3A_152] : memref<4096x1024xf32, #tpu.memory_space<hbm>> -> memref<4096x1024xf32, #tpu.memory_space<hbm>>
    tpu.wait_indirect_dma semaphore(%arg18 : memref<!tpu.dma_semaphore, #tpu.memory_space<semaphore_mem>>) src(%dma_wait3A_153 : memref<4096x1024xf32, #tpu.memory_space<hbm>>) dst(%dma_wait3A_147 : memref<16x1024xf32, #tpu.memory_space<vmem>>)
    %parallel_loop3A_154 = arith.constant 0 : i32
    %parallel_loop3A_155 = arith.constant 1024 : i32
    %parallel_loop3A_156 = arith.constant 1 : i32
    scf.for %parallel_loop3A_389 = %parallel_loop3A_154 to %parallel_loop3A_155 step %parallel_loop3A_156  : i32 {
      %parallel_loop3A_390 = arith.constant 6 : i32
      %parallel_loop3A_391 = arith.shrsi %parallel_loop3A_389, %parallel_loop3A_390 : i32
      %parallel_loop3A_392 = arith.constant 63 : i32
      %parallel_loop3A_393 = arith.andi %parallel_loop3A_389, %parallel_loop3A_392 : i32
      %parallel_loop3A_394 = arith.constant 4 : i32
      %parallel_loop3A_395 = arith.shli %parallel_loop3A_393, %parallel_loop3A_394 : i32
      %parallel_loop3A_396 = tpu.assume_multiple %parallel_loop3A_395, 16 : i32
      %parallel_loop3A_397 = arith.constant 7 : i32
      %parallel_loop3A_398 = arith.andi %parallel_loop3A_389, %parallel_loop3A_397 : i32
      %parallel_loop3A_399 = arith.constant 4 : i32
      %parallel_loop3A_400 = arith.shli %parallel_loop3A_398, %parallel_loop3A_399 : i32
      %parallel_loop3A_401 = tpu.assume_multiple %parallel_loop3A_400, 16 : i32
      %parallel_loop3A_402 = arith.constant 0 : i32
      %parallel_loop3A_403 = arith.index_cast %parallel_loop3A_402 : i32 to index
      %parallel_loop3A_404 = arith.index_cast %parallel_loop3A_391 : i32 to index
      %parallel_loop3A_405 = arith.index_cast %parallel_loop3A_396 : i32 to index
      %parallel_loop3A_406 = tpu.vector_load %arg13[%parallel_loop3A_403, %parallel_loop3A_404, %parallel_loop3A_405] {strides = array<i32>} : memref<2x16x1024xf32, #tpu.memory_space<vmem>>, vector<1x1x16xf32>,
      %parallel_loop3A_407 = vector.shape_cast %parallel_loop3A_406 : vector<1x1x16xf32> to vector<16xf32>
      %parallel_loop3A_408 = arith.constant 0 : i32
      %parallel_loop3A_409 = arith.index_cast %parallel_loop3A_408 : i32 to index
      %parallel_loop3A_410 = arith.index_cast %parallel_loop3A_391 : i32 to index
      %parallel_loop3A_411 = arith.index_cast %parallel_loop3A_396 : i32 to index
      %parallel_loop3A_412 = tpu.vector_load %arg14[%parallel_loop3A_409, %parallel_loop3A_410, %parallel_loop3A_411] {strides = array<i32>} : memref<2x16x1024xf32, #tpu.memory_space<vmem>>, vector<1x1x16xf32>,
      %parallel_loop3A_413 = vector.shape_cast %parallel_loop3A_412 : vector<1x1x16xf32> to vector<16xf32>
      %parallel_loop3A_414 = arith.addf %parallel_loop3A_407, %parallel_loop3A_413 : vector<16xf32>
      %parallel_loop3A_415 = arith.constant 3 : i32
      %parallel_loop3A_416 = arith.shli %parallel_loop3A_391, %parallel_loop3A_415 : i32
      %parallel_loop3A_417 = arith.constant 3 : i32
      %parallel_loop3A_418 = arith.shrsi %parallel_loop3A_389, %parallel_loop3A_417 : i32
      %parallel_loop3A_419 = arith.constant 7 : i32
      %parallel_loop3A_420 = arith.andi %parallel_loop3A_418, %parallel_loop3A_419 : i32
      %parallel_loop3A_421 = arith.addi %parallel_loop3A_416, %parallel_loop3A_420 : i32
      %parallel_loop3A_422 = arith.constant 0 : i32
      %parallel_loop3A_423 = arith.index_cast %parallel_loop3A_422 : i32 to index
      %parallel_loop3A_424 = arith.index_cast %parallel_loop3A_421 : i32 to index
      %parallel_loop3A_425 = arith.index_cast %parallel_loop3A_401 : i32 to index
      %parallel_loop3A_426 = tpu.vector_load %arg15[%parallel_loop3A_423, %parallel_loop3A_424, %parallel_loop3A_425] {strides = array<i32>} : memref<2x128x128xf32, #tpu.memory_space<vmem>>, vector<1x1x16xf32>,
      %parallel_loop3A_427 = vector.shape_cast %parallel_loop3A_426 : vector<1x1x16xf32> to vector<16xf32>
      %parallel_loop3A_428 = vector.shape_cast %parallel_loop3A_414 : vector<16xf32> to vector<1x1x16xf32>
      tpu.vector_store %arg15[%parallel_loop3A_423, %parallel_loop3A_424, %parallel_loop3A_425], %parallel_loop3A_428 {strides = array<i32>} : memref<2x128x128xf32, #tpu.memory_space<vmem>>, vector<1x1x16xf32>,
    } {sc.loop_unroll_factor = 8 : i64, sc.parallel_access}
    %dma_start3A_157 = arith.constant 0 : i32
    %dma_start3A_158 = arith.constant 0 : i32
    %dma_start3A_159 = arith.constant 0 : i32
    %dma_start3A_160 = arith.constant 0 : i32
    %dma_start3A_161 = tpu.memref_slice %arg15[%dma_start3A_157, %dma_start3A_159, %dma_start3A_160] : memref<2x128x128xf32, #tpu.memory_space<vmem>> -> memref<1x128x128xf32, #tpu.memory_space<vmem>>
    %dma_start3A_162 = tpu.memref_squeeze %dma_start3A_161 : memref<1x128x128xf32, #tpu.memory_space<vmem>> -> memref<128x128xf32, #tpu.memory_space<vmem>>
    %dma_start3A_163 = arith.constant 0 : i32
    %dma_start3A_164 = tpu.memref_slice %arg9[%dma_start3A_158, %dma_start3A_163] : memref<16x128xi32, #tpu.memory_space<vmem>> -> memref<1x128xi32, #tpu.memory_space<vmem>>
    %dma_start3A_165 = tpu.memref_squeeze %dma_start3A_164 : memref<1x128xi32, #tpu.memory_space<vmem>> -> memref<128xi32, #tpu.memory_space<vmem>>
    %dma_start3A_166 = arith.constant 0 : i32
    %dma_start3A_167 = arith.constant 0 : i32
    %dma_start3A_168 = tpu.memref_slice %arg5[%dma_start3A_166, %dma_start3A_167] : memref<65568x128xf32, #tpu.memory_space<hbm>> -> memref<65568x128xf32, #tpu.memory_space<hbm>>
    tpu.enqueue_indirect_dma source(%dma_start3A_162 : memref<128x128xf32, #tpu.memory_space<vmem>>) target(%dma_start3A_168 : memref<65568x128xf32, #tpu.memory_space<hbm>>) offsets(%dma_start3A_165 : memref<128xi32, #tpu.memory_space<vmem>>) semaphore(%arg20 : memref<!tpu.dma_semaphore, #tpu.memory_space<semaphore_mem>>)
    %dma_start3A_169 = arith.constant 2 : i32
    %dma_start3A_170 = arith.constant 0 : i32
    %dma_start3A_171 = arith.constant 0 : i32
    %dma_start3A_172 = arith.constant 0 : i32
    %dma_start3A_173 = tpu.memref_slice %arg13[%dma_start3A_170, %dma_start3A_171, %dma_start3A_172] : memref<2x16x1024xf32, #tpu.memory_space<vmem>> -> memref<1x16x1024xf32, #tpu.memory_space<vmem>>
    %dma_start3A_174 = tpu.memref_squeeze %dma_start3A_173 : memref<1x16x1024xf32, #tpu.memory_space<vmem>> -> memref<16x1024xf32, #tpu.memory_space<vmem>>
    %dma_start3A_175 = arith.constant 0 : i32
    %dma_start3A_176 = tpu.memref_slice %arg8[%dma_start3A_169, %dma_start3A_175] : memref<16x16xi32, #tpu.memory_space<vmem>> -> memref<1x16xi32, #tpu.memory_space<vmem>>
    %dma_start3A_177 = tpu.memref_squeeze %dma_start3A_176 : memref<1x16xi32, #tpu.memory_space<vmem>> -> memref<16xi32, #tpu.memory_space<vmem>>
    %dma_start3A_178 = arith.constant 0 : i32
    %dma_start3A_179 = arith.constant 0 : i32
    %dma_start3A_180 = tpu.memref_slice %arg2[%dma_start3A_178, %dma_start3A_179] : memref<16384x1024xf32, #tpu.memory_space<hbm>> -> memref<16384x1024xf32, #tpu.memory_space<hbm>>
    tpu.enqueue_indirect_dma source(%dma_start3A_180 : memref<16384x1024xf32, #tpu.memory_space<hbm>>) target(%dma_start3A_174 : memref<16x1024xf32, #tpu.memory_space<vmem>>) offsets(%dma_start3A_177 : memref<16xi32, #tpu.memory_space<vmem>>) semaphore(%arg16 : memref<!tpu.dma_semaphore, #tpu.memory_space<semaphore_mem>>)
    %dma_start3A_181 = arith.constant 2 : i32
    %dma_start3A_182 = arith.constant 0 : i32
    %dma_start3A_183 = arith.constant 0 : i32
    %dma_start3A_184 = arith.constant 0 : i32
    %dma_start3A_185 = tpu.memref_slice %arg14[%dma_start3A_182, %dma_start3A_183, %dma_start3A_184] : memref<2x16x1024xf32, #tpu.memory_space<vmem>> -> memref<1x16x1024xf32, #tpu.memory_space<vmem>>
    %dma_start3A_186 = tpu.memref_squeeze %dma_start3A_185 : memref<1x16x1024xf32, #tpu.memory_space<vmem>> -> memref<16x1024xf32, #tpu.memory_space<vmem>>
    %dma_start3A_187 = arith.constant 0 : i32
    %dma_start3A_188 = tpu.memref_slice %arg7[%dma_start3A_181, %dma_start3A_187] : memref<16x16xi32, #tpu.memory_space<vmem>> -> memref<1x16xi32, #tpu.memory_space<vmem>>
    %dma_start3A_189 = tpu.memref_squeeze %dma_start3A_188 : memref<1x16xi32, #tpu.memory_space<vmem>> -> memref<16xi32, #tpu.memory_space<vmem>>
    %dma_start3A_190 = arith.constant 0 : i32
    %dma_start3A_191 = arith.constant 0 : i32
    %dma_start3A_192 = tpu.memref_slice %arg3[%dma_start3A_190, %dma_start3A_191] : memref<4096x1024xf32, #tpu.memory_space<hbm>> -> memref<4096x1024xf32, #tpu.memory_space<hbm>>
    tpu.enqueue_indirect_dma source(%dma_start3A_192 : memref<4096x1024xf32, #tpu.memory_space<hbm>>) target(%dma_start3A_186 : memref<16x1024xf32, #tpu.memory_space<vmem>>) offsets(%dma_start3A_189 : memref<16xi32, #tpu.memory_space<vmem>>) semaphore(%arg18 : memref<!tpu.dma_semaphore, #tpu.memory_space<semaphore_mem>>)
    %dma_wait3A_193 = arith.constant 0 : i32
    %dma_wait3A_194 = arith.constant 1 : i32
    %dma_wait3A_195 = arith.constant 0 : i32
    %dma_wait3A_196 = arith.constant 0 : i32
    %dma_wait3A_197 = tpu.memref_slice %arg13[%dma_wait3A_194, %dma_wait3A_195, %dma_wait3A_196] : memref<2x16x1024xf32, #tpu.memory_space<vmem>> -> memref<1x16x1024xf32, #tpu.memory_space<vmem>>
    %dma_wait3A_198 = tpu.memref_squeeze %dma_wait3A_197 : memref<1x16x1024xf32, #tpu.memory_space<vmem>> -> memref<16x1024xf32, #tpu.memory_space<vmem>>
    %dma_wait3A_199 = arith.constant 0 : i32
    %dma_wait3A_200 = tpu.memref_slice %arg8[%dma_wait3A_193, %dma_wait3A_199] : memref<16x16xi32, #tpu.memory_space<vmem>> -> memref<1x16xi32, #tpu.memory_space<vmem>>
    %dma_wait3A_201 = tpu.memref_squeeze %dma_wait3A_200 : memref<1x16xi32, #tpu.memory_space<vmem>> -> memref<16xi32, #tpu.memory_space<vmem>>
    %dma_wait3A_202 = arith.constant 0 : i32
    %dma_wait3A_203 = arith.constant 0 : i32
    %dma_wait3A_204 = tpu.memref_slice %arg2[%dma_wait3A_202, %dma_wait3A_203] : memref<16384x1024xf32, #tpu.memory_space<hbm>> -> memref<16384x1024xf32, #tpu.memory_space<hbm>>
    tpu.wait_indirect_dma semaphore(%arg17 : memref<!tpu.dma_semaphore, #tpu.memory_space<semaphore_mem>>) src(%dma_wait3A_204 : memref<16384x1024xf32, #tpu.memory_space<hbm>>) dst(%dma_wait3A_198 : memref<16x1024xf32, #tpu.memory_space<vmem>>)
    %dma_wait3A_205 = arith.constant 0 : i32
    %dma_wait3A_206 = arith.constant 1 : i32
    %dma_wait3A_207 = arith.constant 0 : i32
    %dma_wait3A_208 = arith.constant 0 : i32
    %dma_wait3A_209 = tpu.memref_slice %arg14[%dma_wait3A_206, %dma_wait3A_207, %dma_wait3A_208] : memref<2x16x1024xf32, #tpu.memory_space<vmem>> -> memref<1x16x1024xf32, #tpu.memory_space<vmem>>
    %dma_wait3A_210 = tpu.memref_squeeze %dma_wait3A_209 : memref<1x16x1024xf32, #tpu.memory_space<vmem>> -> memref<16x1024xf32, #tpu.memory_space<vmem>>
    %dma_wait3A_211 = arith.constant 0 : i32
    %dma_wait3A_212 = tpu.memref_slice %arg7[%dma_wait3A_205, %dma_wait3A_211] : memref<16x16xi32, #tpu.memory_space<vmem>> -> memref<1x16xi32, #tpu.memory_space<vmem>>
    %dma_wait3A_213 = tpu.memref_squeeze %dma_wait3A_212 : memref<1x16xi32, #tpu.memory_space<vmem>> -> memref<16xi32, #tpu.memory_space<vmem>>
    %dma_wait3A_214 = arith.constant 0 : i32
    %dma_wait3A_215 = arith.constant 0 : i32
    %dma_wait3A_216 = tpu.memref_slice %arg3[%dma_wait3A_214, %dma_wait3A_215] : memref<4096x1024xf32, #tpu.memory_space<hbm>> -> memref<4096x1024xf32, #tpu.memory_space<hbm>>
    tpu.wait_indirect_dma semaphore(%arg19 : memref<!tpu.dma_semaphore, #tpu.memory_space<semaphore_mem>>) src(%dma_wait3A_216 : memref<4096x1024xf32, #tpu.memory_space<hbm>>) dst(%dma_wait3A_210 : memref<16x1024xf32, #tpu.memory_space<vmem>>)
    %parallel_loop3A_217 = arith.constant 0 : i32
    %parallel_loop3A_218 = arith.constant 1024 : i32
    %parallel_loop3A_219 = arith.constant 1 : i32
    scf.for %parallel_loop3A_389 = %parallel_loop3A_217 to %parallel_loop3A_218 step %parallel_loop3A_219  : i32 {
      %parallel_loop3A_390 = arith.constant 6 : i32
      %parallel_loop3A_391 = arith.shrsi %parallel_loop3A_389, %parallel_loop3A_390 : i32
      %parallel_loop3A_392 = arith.constant 63 : i32
      %parallel_loop3A_393 = arith.andi %parallel_loop3A_389, %parallel_loop3A_392 : i32
      %parallel_loop3A_394 = arith.constant 4 : i32
      %parallel_loop3A_395 = arith.shli %parallel_loop3A_393, %parallel_loop3A_394 : i32
      %parallel_loop3A_396 = tpu.assume_multiple %parallel_loop3A_395, 16 : i32
      %parallel_loop3A_397 = arith.constant 7 : i32
      %parallel_loop3A_398 = arith.andi %parallel_loop3A_389, %parallel_loop3A_397 : i32
      %parallel_loop3A_399 = arith.constant 4 : i32
      %parallel_loop3A_400 = arith.shli %parallel_loop3A_398, %parallel_loop3A_399 : i32
      %parallel_loop3A_401 = tpu.assume_multiple %parallel_loop3A_400, 16 : i32
      %parallel_loop3A_402 = arith.constant 1 : i32
      %parallel_loop3A_403 = arith.index_cast %parallel_loop3A_402 : i32 to index
      %parallel_loop3A_404 = arith.index_cast %parallel_loop3A_391 : i32 to index
      %parallel_loop3A_405 = arith.index_cast %parallel_loop3A_396 : i32 to index
      %parallel_loop3A_406 = tpu.vector_load %arg13[%parallel_loop3A_403, %parallel_loop3A_404, %parallel_loop3A_405] {strides = array<i32>} : memref<2x16x1024xf32, #tpu.memory_space<vmem>>, vector<1x1x16xf32>,
      %parallel_loop3A_407 = vector.shape_cast %parallel_loop3A_406 : vector<1x1x16xf32> to vector<16xf32>
      %parallel_loop3A_408 = arith.constant 1 : i32
      %parallel_loop3A_409 = arith.index_cast %parallel_loop3A_408 : i32 to index
      %parallel_loop3A_410 = arith.index_cast %parallel_loop3A_391 : i32 to index
      %parallel_loop3A_411 = arith.index_cast %parallel_loop3A_396 : i32 to index
      %parallel_loop3A_412 = tpu.vector_load %arg14[%parallel_loop3A_409, %parallel_loop3A_410, %parallel_loop3A_411] {strides = array<i32>} : memref<2x16x1024xf32, #tpu.memory_space<vmem>>, vector<1x1x16xf32>,
      %parallel_loop3A_413 = vector.shape_cast %parallel_loop3A_412 : vector<1x1x16xf32> to vector<16xf32>
      %parallel_loop3A_414 = arith.addf %parallel_loop3A_407, %parallel_loop3A_413 : vector<16xf32>
      %parallel_loop3A_415 = arith.constant 3 : i32
      %parallel_loop3A_416 = arith.shli %parallel_loop3A_391, %parallel_loop3A_415 : i32
      %parallel_loop3A_417 = arith.constant 3 : i32
      %parallel_loop3A_418 = arith.shrsi %parallel_loop3A_389, %parallel_loop3A_417 : i32
      %parallel_loop3A_419 = arith.constant 7 : i32
      %parallel_loop3A_420 = arith.andi %parallel_loop3A_418, %parallel_loop3A_419 : i32
      %parallel_loop3A_421 = arith.addi %parallel_loop3A_416, %parallel_loop3A_420 : i32
      %parallel_loop3A_422 = arith.constant 1 : i32
      %parallel_loop3A_423 = arith.index_cast %parallel_loop3A_422 : i32 to index
      %parallel_loop3A_424 = arith.index_cast %parallel_loop3A_421 : i32 to index
      %parallel_loop3A_425 = arith.index_cast %parallel_loop3A_401 : i32 to index
      %parallel_loop3A_426 = tpu.vector_load %arg15[%parallel_loop3A_423, %parallel_loop3A_424, %parallel_loop3A_425] {strides = array<i32>} : memref<2x128x128xf32, #tpu.memory_space<vmem>>, vector<1x1x16xf32>,
      %parallel_loop3A_427 = vector.shape_cast %parallel_loop3A_426 : vector<1x1x16xf32> to vector<16xf32>
      %parallel_loop3A_428 = vector.shape_cast %parallel_loop3A_414 : vector<16xf32> to vector<1x1x16xf32>
      tpu.vector_store %arg15[%parallel_loop3A_423, %parallel_loop3A_424, %parallel_loop3A_425], %parallel_loop3A_428 {strides = array<i32>} : memref<2x128x128xf32, #tpu.memory_space<vmem>>, vector<1x1x16xf32>,
    } {sc.loop_unroll_factor = 8 : i64, sc.parallel_access}
    %dma_start3A_220 = arith.constant 1 : i32
    %dma_start3A_221 = arith.constant 1 : i32
    %dma_start3A_222 = arith.constant 0 : i32
    %dma_start3A_223 = arith.constant 0 : i32
    %dma_start3A_224 = tpu.memref_slice %arg15[%dma_start3A_220, %dma_start3A_222, %dma_start3A_223] : memref<2x128x128xf32, #tpu.memory_space<vmem>> -> memref<1x128x128xf32, #tpu.memory_space<vmem>>
    %dma_start3A_225 = tpu.memref_squeeze %dma_start3A_224 : memref<1x128x128xf32, #tpu.memory_space<vmem>> -> memref<128x128xf32, #tpu.memory_space<vmem>>
    %dma_start3A_226 = arith.constant 0 : i32
    %dma_start3A_227 = tpu.memref_slice %arg9[%dma_start3A_221, %dma_start3A_226] : memref<16x128xi32, #tpu.memory_space<vmem>> -> memref<1x128xi32, #tpu.memory_space<vmem>>
    %dma_start3A_228 = tpu.memref_squeeze %dma_start3A_227 : memref<1x128xi32, #tpu.memory_space<vmem>> -> memref<128xi32, #tpu.memory_space<vmem>>
    %dma_start3A_229 = arith.constant 0 : i32
    %dma_start3A_230 = arith.constant 0 : i32
    %dma_start3A_231 = tpu.memref_slice %arg5[%dma_start3A_229, %dma_start3A_230] : memref<65568x128xf32, #tpu.memory_space<hbm>> -> memref<65568x128xf32, #tpu.memory_space<hbm>>
    tpu.enqueue_indirect_dma source(%dma_start3A_225 : memref<128x128xf32, #tpu.memory_space<vmem>>) target(%dma_start3A_231 : memref<65568x128xf32, #tpu.memory_space<hbm>>) offsets(%dma_start3A_228 : memref<128xi32, #tpu.memory_space<vmem>>) semaphore(%arg21 : memref<!tpu.dma_semaphore, #tpu.memory_space<semaphore_mem>>)
    %scan3A = arith.constant 0 : i32
    %scan3A_232 = arith.constant 6 : i32
    %scan3A_233 = arith.addi %scan3A, %scan3A_232 : i32
    %scan3A_234 = arith.constant 1 : i32
    scf.for %scan3A_389 = %scan3A to %scan3A_233 step %scan3A_234  : i32 {
      %mul3A_390 = arith.constant 1 : i32
      %mul3A_391 = arith.muli %scan3A_389, %mul3A_390 : i32
      %add3A_392 = arith.constant 1 : i32
      %add3A_393 = arith.addi %add3A_392, %mul3A_391 : i32
      %mul3A_394 = arith.constant 2 : i32
      %mul3A_395 = arith.muli %mul3A_394, %add3A_393 : i32
      %add3A_396 = arith.constant 1 : i32
      %add3A_397 = arith.addi %mul3A_395, %add3A_396 : i32
      %dma_start3A_398 = arith.constant 1 : i32
      %dma_start3A_399 = arith.constant 0 : i32
      %dma_start3A_400 = arith.constant 0 : i32
      %dma_start3A_401 = tpu.memref_slice %arg13[%dma_start3A_398, %dma_start3A_399, %dma_start3A_400] : memref<2x16x1024xf32, #tpu.memory_space<vmem>> -> memref<1x16x1024xf32, #tpu.memory_space<vmem>>
      %dma_start3A_402 = tpu.memref_squeeze %dma_start3A_401 : memref<1x16x1024xf32, #tpu.memory_space<vmem>> -> memref<16x1024xf32, #tpu.memory_space<vmem>>
      %dma_start3A_403 = arith.constant 0 : i32
      %dma_start3A_404 = tpu.memref_slice %arg8[%add3A_397, %dma_start3A_403] : memref<16x16xi32, #tpu.memory_space<vmem>> -> memref<1x16xi32, #tpu.memory_space<vmem>>
      %dma_start3A_405 = tpu.memref_squeeze %dma_start3A_404 : memref<1x16xi32, #tpu.memory_space<vmem>> -> memref<16xi32, #tpu.memory_space<vmem>>
      %dma_start3A_406 = arith.constant 0 : i32
      %dma_start3A_407 = arith.constant 0 : i32
      %dma_start3A_408 = tpu.memref_slice %arg2[%dma_start3A_406, %dma_start3A_407] : memref<16384x1024xf32, #tpu.memory_space<hbm>> -> memref<16384x1024xf32, #tpu.memory_space<hbm>>
      tpu.enqueue_indirect_dma source(%dma_start3A_408 : memref<16384x1024xf32, #tpu.memory_space<hbm>>) target(%dma_start3A_402 : memref<16x1024xf32, #tpu.memory_space<vmem>>) offsets(%dma_start3A_405 : memref<16xi32, #tpu.memory_space<vmem>>) semaphore(%arg17 : memref<!tpu.dma_semaphore, #tpu.memory_space<semaphore_mem>>)
      %dma_start3A_409 = arith.constant 1 : i32
      %dma_start3A_410 = arith.constant 0 : i32
      %dma_start3A_411 = arith.constant 0 : i32
      %dma_start3A_412 = tpu.memref_slice %arg14[%dma_start3A_409, %dma_start3A_410, %dma_start3A_411] : memref<2x16x1024xf32, #tpu.memory_space<vmem>> -> memref<1x16x1024xf32, #tpu.memory_space<vmem>>
      %dma_start3A_413 = tpu.memref_squeeze %dma_start3A_412 : memref<1x16x1024xf32, #tpu.memory_space<vmem>> -> memref<16x1024xf32, #tpu.memory_space<vmem>>
      %dma_start3A_414 = arith.constant 0 : i32
      %dma_start3A_415 = tpu.memref_slice %arg7[%add3A_397, %dma_start3A_414] : memref<16x16xi32, #tpu.memory_space<vmem>> -> memref<1x16xi32, #tpu.memory_space<vmem>>
      %dma_start3A_416 = tpu.memref_squeeze %dma_start3A_415 : memref<1x16xi32, #tpu.memory_space<vmem>> -> memref<16xi32, #tpu.memory_space<vmem>>
      %dma_start3A_417 = arith.constant 0 : i32
      %dma_start3A_418 = arith.constant 0 : i32
      %dma_start3A_419 = tpu.memref_slice %arg3[%dma_start3A_417, %dma_start3A_418] : memref<4096x1024xf32, #tpu.memory_space<hbm>> -> memref<4096x1024xf32, #tpu.memory_space<hbm>>
      tpu.enqueue_indirect_dma source(%dma_start3A_419 : memref<4096x1024xf32, #tpu.memory_space<hbm>>) target(%dma_start3A_413 : memref<16x1024xf32, #tpu.memory_space<vmem>>) offsets(%dma_start3A_416 : memref<16xi32, #tpu.memory_space<vmem>>) semaphore(%arg19 : memref<!tpu.dma_semaphore, #tpu.memory_space<semaphore_mem>>)
      %dma_wait3A_420 = arith.constant 0 : i32
      %dma_wait3A_421 = arith.constant 0 : i32
      %dma_wait3A_422 = arith.constant 0 : i32
      %dma_wait3A_423 = arith.constant 0 : i32
      %dma_wait3A_424 = tpu.memref_slice %arg13[%dma_wait3A_421, %dma_wait3A_422, %dma_wait3A_423] : memref<2x16x1024xf32, #tpu.memory_space<vmem>> -> memref<1x16x1024xf32, #tpu.memory_space<vmem>>
      %dma_wait3A_425 = tpu.memref_squeeze %dma_wait3A_424 : memref<1x16x1024xf32, #tpu.memory_space<vmem>> -> memref<16x1024xf32, #tpu.memory_space<vmem>>
      %dma_wait3A_426 = arith.constant 0 : i32
      %dma_wait3A_427 = tpu.memref_slice %arg8[%dma_wait3A_420, %dma_wait3A_426] : memref<16x16xi32, #tpu.memory_space<vmem>> -> memref<1x16xi32, #tpu.memory_space<vmem>>
      %dma_wait3A_428 = tpu.memref_squeeze %dma_wait3A_427 : memref<1x16xi32, #tpu.memory_space<vmem>> -> memref<16xi32, #tpu.memory_space<vmem>>
      %dma_wait3A_429 = arith.constant 0 : i32
      %dma_wait3A_430 = arith.constant 0 : i32
      %dma_wait3A_431 = tpu.memref_slice %arg2[%dma_wait3A_429, %dma_wait3A_430] : memref<16384x1024xf32, #tpu.memory_space<hbm>> -> memref<16384x1024xf32, #tpu.memory_space<hbm>>
      tpu.wait_indirect_dma semaphore(%arg16 : memref<!tpu.dma_semaphore, #tpu.memory_space<semaphore_mem>>) src(%dma_wait3A_431 : memref<16384x1024xf32, #tpu.memory_space<hbm>>) dst(%dma_wait3A_425 : memref<16x1024xf32, #tpu.memory_space<vmem>>)
      %dma_wait3A_432 = arith.constant 0 : i32
      %dma_wait3A_433 = arith.constant 0 : i32
      %dma_wait3A_434 = arith.constant 0 : i32
      %dma_wait3A_435 = arith.constant 0 : i32
      %dma_wait3A_436 = tpu.memref_slice %arg14[%dma_wait3A_433, %dma_wait3A_434, %dma_wait3A_435] : memref<2x16x1024xf32, #tpu.memory_space<vmem>> -> memref<1x16x1024xf32, #tpu.memory_space<vmem>>
      %dma_wait3A_437 = tpu.memref_squeeze %dma_wait3A_436 : memref<1x16x1024xf32, #tpu.memory_space<vmem>> -> memref<16x1024xf32, #tpu.memory_space<vmem>>
      %dma_wait3A_438 = arith.constant 0 : i32
      %dma_wait3A_439 = tpu.memref_slice %arg7[%dma_wait3A_432, %dma_wait3A_438] : memref<16x16xi32, #tpu.memory_space<vmem>> -> memref<1x16xi32, #tpu.memory_space<vmem>>
      %dma_wait3A_440 = tpu.memref_squeeze %dma_wait3A_439 : memref<1x16xi32, #tpu.memory_space<vmem>> -> memref<16xi32, #tpu.memory_space<vmem>>
      %dma_wait3A_441 = arith.constant 0 : i32
      %dma_wait3A_442 = arith.constant 0 : i32
      %dma_wait3A_443 = tpu.memref_slice %arg3[%dma_wait3A_441, %dma_wait3A_442] : memref<4096x1024xf32, #tpu.memory_space<hbm>> -> memref<4096x1024xf32, #tpu.memory_space<hbm>>
      tpu.wait_indirect_dma semaphore(%arg18 : memref<!tpu.dma_semaphore, #tpu.memory_space<semaphore_mem>>) src(%dma_wait3A_443 : memref<4096x1024xf32, #tpu.memory_space<hbm>>) dst(%dma_wait3A_437 : memref<16x1024xf32, #tpu.memory_space<vmem>>)
      %dma_wait3A_444 = arith.constant 0 : i32
      %dma_wait3A_445 = arith.constant 0 : i32
      %dma_wait3A_446 = arith.constant 0 : i32
      %dma_wait3A_447 = arith.constant 0 : i32
      %dma_wait3A_448 = tpu.memref_slice %arg15[%dma_wait3A_444, %dma_wait3A_446, %dma_wait3A_447] : memref<2x128x128xf32, #tpu.memory_space<vmem>> -> memref<1x128x128xf32, #tpu.memory_space<vmem>>
      %dma_wait3A_449 = tpu.memref_squeeze %dma_wait3A_448 : memref<1x128x128xf32, #tpu.memory_space<vmem>> -> memref<128x128xf32, #tpu.memory_space<vmem>>
      %dma_wait3A_450 = arith.constant 0 : i32
      %dma_wait3A_451 = tpu.memref_slice %arg9[%dma_wait3A_445, %dma_wait3A_450] : memref<16x128xi32, #tpu.memory_space<vmem>> -> memref<1x128xi32, #tpu.memory_space<vmem>>
      %dma_wait3A_452 = tpu.memref_squeeze %dma_wait3A_451 : memref<1x128xi32, #tpu.memory_space<vmem>> -> memref<128xi32, #tpu.memory_space<vmem>>
      %dma_wait3A_453 = arith.constant 0 : i32
      %dma_wait3A_454 = arith.constant 0 : i32
      %dma_wait3A_455 = tpu.memref_slice %arg5[%dma_wait3A_453, %dma_wait3A_454] : memref<65568x128xf32, #tpu.memory_space<hbm>> -> memref<65568x128xf32, #tpu.memory_space<hbm>>
      tpu.wait_indirect_dma semaphore(%arg20 : memref<!tpu.dma_semaphore, #tpu.memory_space<semaphore_mem>>) src(%dma_wait3A_449 : memref<128x128xf32, #tpu.memory_space<vmem>>) dst(%dma_wait3A_455 : memref<65568x128xf32, #tpu.memory_space<hbm>>)
      %parallel_loop3A_456 = arith.constant 0 : i32
      %parallel_loop3A_457 = arith.constant 1024 : i32
      %parallel_loop3A_458 = arith.constant 1 : i32
      scf.for %parallel_loop3A_546 = %parallel_loop3A_456 to %parallel_loop3A_457 step %parallel_loop3A_458  : i32 {
        %parallel_loop3A_547 = arith.constant 6 : i32
        %parallel_loop3A_548 = arith.shrsi %parallel_loop3A_546, %parallel_loop3A_547 : i32
        %parallel_loop3A_549 = arith.constant 63 : i32
        %parallel_loop3A_550 = arith.andi %parallel_loop3A_546, %parallel_loop3A_549 : i32
        %parallel_loop3A_551 = arith.constant 4 : i32
        %parallel_loop3A_552 = arith.shli %parallel_loop3A_550, %parallel_loop3A_551 : i32
        %parallel_loop3A_553 = tpu.assume_multiple %parallel_loop3A_552, 16 : i32
        %parallel_loop3A_554 = arith.constant 7 : i32
        %parallel_loop3A_555 = arith.andi %parallel_loop3A_546, %parallel_loop3A_554 : i32
        %parallel_loop3A_556 = arith.constant 4 : i32
        %parallel_loop3A_557 = arith.shli %parallel_loop3A_555, %parallel_loop3A_556 : i32
        %parallel_loop3A_558 = tpu.assume_multiple %parallel_loop3A_557, 16 : i32
        %parallel_loop3A_559 = arith.constant 0 : i32
        %parallel_loop3A_560 = arith.index_cast %parallel_loop3A_559 : i32 to index
        %parallel_loop3A_561 = arith.index_cast %parallel_loop3A_548 : i32 to index
        %parallel_loop3A_562 = arith.index_cast %parallel_loop3A_553 : i32 to index
        %parallel_loop3A_563 = tpu.vector_load %arg13[%parallel_loop3A_560, %parallel_loop3A_561, %parallel_loop3A_562] {strides = array<i32>} : memref<2x16x1024xf32, #tpu.memory_space<vmem>>, vector<1x1x16xf32>,
        %parallel_loop3A_564 = vector.shape_cast %parallel_loop3A_563 : vector<1x1x16xf32> to vector<16xf32>
        %parallel_loop3A_565 = arith.constant 0 : i32
        %parallel_loop3A_566 = arith.index_cast %parallel_loop3A_565 : i32 to index
        %parallel_loop3A_567 = arith.index_cast %parallel_loop3A_548 : i32 to index
        %parallel_loop3A_568 = arith.index_cast %parallel_loop3A_553 : i32 to index
        %parallel_loop3A_569 = tpu.vector_load %arg14[%parallel_loop3A_566, %parallel_loop3A_567, %parallel_loop3A_568] {strides = array<i32>} : memref<2x16x1024xf32, #tpu.memory_space<vmem>>, vector<1x1x16xf32>,
        %parallel_loop3A_570 = vector.shape_cast %parallel_loop3A_569 : vector<1x1x16xf32> to vector<16xf32>
        %parallel_loop3A_571 = arith.addf %parallel_loop3A_564, %parallel_loop3A_570 : vector<16xf32>
        %parallel_loop3A_572 = arith.constant 3 : i32
        %parallel_loop3A_573 = arith.shli %parallel_loop3A_548, %parallel_loop3A_572 : i32
        %parallel_loop3A_574 = arith.constant 3 : i32
        %parallel_loop3A_575 = arith.shrsi %parallel_loop3A_546, %parallel_loop3A_574 : i32
        %parallel_loop3A_576 = arith.constant 7 : i32
        %parallel_loop3A_577 = arith.andi %parallel_loop3A_575, %parallel_loop3A_576 : i32
        %parallel_loop3A_578 = arith.addi %parallel_loop3A_573, %parallel_loop3A_577 : i32
        %parallel_loop3A_579 = arith.constant 0 : i32
        %parallel_loop3A_580 = arith.index_cast %parallel_loop3A_579 : i32 to index
        %parallel_loop3A_581 = arith.index_cast %parallel_loop3A_578 : i32 to index
        %parallel_loop3A_582 = arith.index_cast %parallel_loop3A_558 : i32 to index
        %parallel_loop3A_583 = tpu.vector_load %arg15[%parallel_loop3A_580, %parallel_loop3A_581, %parallel_loop3A_582] {strides = array<i32>} : memref<2x128x128xf32, #tpu.memory_space<vmem>>, vector<1x1x16xf32>,
        %parallel_loop3A_584 = vector.shape_cast %parallel_loop3A_583 : vector<1x1x16xf32> to vector<16xf32>
        %parallel_loop3A_585 = vector.shape_cast %parallel_loop3A_571 : vector<16xf32> to vector<1x1x16xf32>
        tpu.vector_store %arg15[%parallel_loop3A_580, %parallel_loop3A_581, %parallel_loop3A_582], %parallel_loop3A_585 {strides = array<i32>} : memref<2x128x128xf32, #tpu.memory_space<vmem>>, vector<1x1x16xf32>,
      } {sc.loop_unroll_factor = 8 : i64, sc.parallel_access}
      %dma_start3A_459 = arith.constant 0 : i32
      %dma_start3A_460 = arith.constant 0 : i32
      %dma_start3A_461 = arith.constant 0 : i32
      %dma_start3A_462 = tpu.memref_slice %arg15[%dma_start3A_459, %dma_start3A_460, %dma_start3A_461] : memref<2x128x128xf32, #tpu.memory_space<vmem>> -> memref<1x128x128xf32, #tpu.memory_space<vmem>>
      %dma_start3A_463 = tpu.memref_squeeze %dma_start3A_462 : memref<1x128x128xf32, #tpu.memory_space<vmem>> -> memref<128x128xf32, #tpu.memory_space<vmem>>
      %dma_start3A_464 = arith.constant 0 : i32
      %dma_start3A_465 = tpu.memref_slice %arg9[%mul3A_395, %dma_start3A_464] : memref<16x128xi32, #tpu.memory_space<vmem>> -> memref<1x128xi32, #tpu.memory_space<vmem>>
      %dma_start3A_466 = tpu.memref_squeeze %dma_start3A_465 : memref<1x128xi32, #tpu.memory_space<vmem>> -> memref<128xi32, #tpu.memory_space<vmem>>
      %dma_start3A_467 = arith.constant 0 : i32
      %dma_start3A_468 = arith.constant 0 : i32
      %dma_start3A_469 = tpu.memref_slice %arg5[%dma_start3A_467, %dma_start3A_468] : memref<65568x128xf32, #tpu.memory_space<hbm>> -> memref<65568x128xf32, #tpu.memory_space<hbm>>
      tpu.enqueue_indirect_dma source(%dma_start3A_463 : memref<128x128xf32, #tpu.memory_space<vmem>>) target(%dma_start3A_469 : memref<65568x128xf32, #tpu.memory_space<hbm>>) offsets(%dma_start3A_466 : memref<128xi32, #tpu.memory_space<vmem>>) semaphore(%arg20 : memref<!tpu.dma_semaphore, #tpu.memory_space<semaphore_mem>>)
      %add3A_470 = arith.constant 2 : i32
      %add3A_471 = arith.addi %mul3A_395, %add3A_470 : i32
      %dma_start3A_472 = arith.constant 0 : i32
      %dma_start3A_473 = arith.constant 0 : i32
      %dma_start3A_474 = arith.constant 0 : i32
      %dma_start3A_475 = tpu.memref_slice %arg13[%dma_start3A_472, %dma_start3A_473, %dma_start3A_474] : memref<2x16x1024xf32, #tpu.memory_space<vmem>> -> memref<1x16x1024xf32, #tpu.memory_space<vmem>>
      %dma_start3A_476 = tpu.memref_squeeze %dma_start3A_475 : memref<1x16x1024xf32, #tpu.memory_space<vmem>> -> memref<16x1024xf32, #tpu.memory_space<vmem>>
      %dma_start3A_477 = arith.constant 0 : i32
      %dma_start3A_478 = tpu.memref_slice %arg8[%add3A_471, %dma_start3A_477] : memref<16x16xi32, #tpu.memory_space<vmem>> -> memref<1x16xi32, #tpu.memory_space<vmem>>
      %dma_start3A_479 = tpu.memref_squeeze %dma_start3A_478 : memref<1x16xi32, #tpu.memory_space<vmem>> -> memref<16xi32, #tpu.memory_space<vmem>>
      %dma_start3A_480 = arith.constant 0 : i32
      %dma_start3A_481 = arith.constant 0 : i32
      %dma_start3A_482 = tpu.memref_slice %arg2[%dma_start3A_480, %dma_start3A_481] : memref<16384x1024xf32, #tpu.memory_space<hbm>> -> memref<16384x1024xf32, #tpu.memory_space<hbm>>
      tpu.enqueue_indirect_dma source(%dma_start3A_482 : memref<16384x1024xf32, #tpu.memory_space<hbm>>) target(%dma_start3A_476 : memref<16x1024xf32, #tpu.memory_space<vmem>>) offsets(%dma_start3A_479 : memref<16xi32, #tpu.memory_space<vmem>>) semaphore(%arg16 : memref<!tpu.dma_semaphore, #tpu.memory_space<semaphore_mem>>)
      %dma_start3A_483 = arith.constant 0 : i32
      %dma_start3A_484 = arith.constant 0 : i32
      %dma_start3A_485 = arith.constant 0 : i32
      %dma_start3A_486 = tpu.memref_slice %arg14[%dma_start3A_483, %dma_start3A_484, %dma_start3A_485] : memref<2x16x1024xf32, #tpu.memory_space<vmem>> -> memref<1x16x1024xf32, #tpu.memory_space<vmem>>
      %dma_start3A_487 = tpu.memref_squeeze %dma_start3A_486 : memref<1x16x1024xf32, #tpu.memory_space<vmem>> -> memref<16x1024xf32, #tpu.memory_space<vmem>>
      %dma_start3A_488 = arith.constant 0 : i32
      %dma_start3A_489 = tpu.memref_slice %arg7[%add3A_471, %dma_start3A_488] : memref<16x16xi32, #tpu.memory_space<vmem>> -> memref<1x16xi32, #tpu.memory_space<vmem>>
      %dma_start3A_490 = tpu.memref_squeeze %dma_start3A_489 : memref<1x16xi32, #tpu.memory_space<vmem>> -> memref<16xi32, #tpu.memory_space<vmem>>
      %dma_start3A_491 = arith.constant 0 : i32
      %dma_start3A_492 = arith.constant 0 : i32
      %dma_start3A_493 = tpu.memref_slice %arg3[%dma_start3A_491, %dma_start3A_492] : memref<4096x1024xf32, #tpu.memory_space<hbm>> -> memref<4096x1024xf32, #tpu.memory_space<hbm>>
      tpu.enqueue_indirect_dma source(%dma_start3A_493 : memref<4096x1024xf32, #tpu.memory_space<hbm>>) target(%dma_start3A_487 : memref<16x1024xf32, #tpu.memory_space<vmem>>) offsets(%dma_start3A_490 : memref<16xi32, #tpu.memory_space<vmem>>) semaphore(%arg18 : memref<!tpu.dma_semaphore, #tpu.memory_space<semaphore_mem>>)
      %dma_wait3A_494 = arith.constant 0 : i32
      %dma_wait3A_495 = arith.constant 1 : i32
      %dma_wait3A_496 = arith.constant 0 : i32
      %dma_wait3A_497 = arith.constant 0 : i32
      %dma_wait3A_498 = tpu.memref_slice %arg13[%dma_wait3A_495, %dma_wait3A_496, %dma_wait3A_497] : memref<2x16x1024xf32, #tpu.memory_space<vmem>> -> memref<1x16x1024xf32, #tpu.memory_space<vmem>>
      %dma_wait3A_499 = tpu.memref_squeeze %dma_wait3A_498 : memref<1x16x1024xf32, #tpu.memory_space<vmem>> -> memref<16x1024xf32, #tpu.memory_space<vmem>>
      %dma_wait3A_500 = arith.constant 0 : i32
      %dma_wait3A_501 = tpu.memref_slice %arg8[%dma_wait3A_494, %dma_wait3A_500] : memref<16x16xi32, #tpu.memory_space<vmem>> -> memref<1x16xi32, #tpu.memory_space<vmem>>
      %dma_wait3A_502 = tpu.memref_squeeze %dma_wait3A_501 : memref<1x16xi32, #tpu.memory_space<vmem>> -> memref<16xi32, #tpu.memory_space<vmem>>
      %dma_wait3A_503 = arith.constant 0 : i32
      %dma_wait3A_504 = arith.constant 0 : i32
      %dma_wait3A_505 = tpu.memref_slice %arg2[%dma_wait3A_503, %dma_wait3A_504] : memref<16384x1024xf32, #tpu.memory_space<hbm>> -> memref<16384x1024xf32, #tpu.memory_space<hbm>>
      tpu.wait_indirect_dma semaphore(%arg17 : memref<!tpu.dma_semaphore, #tpu.memory_space<semaphore_mem>>) src(%dma_wait3A_505 : memref<16384x1024xf32, #tpu.memory_space<hbm>>) dst(%dma_wait3A_499 : memref<16x1024xf32, #tpu.memory_space<vmem>>)
      %dma_wait3A_506 = arith.constant 0 : i32
      %dma_wait3A_507 = arith.constant 1 : i32
      %dma_wait3A_508 = arith.constant 0 : i32
      %dma_wait3A_509 = arith.constant 0 : i32
      %dma_wait3A_510 = tpu.memref_slice %arg14[%dma_wait3A_507, %dma_wait3A_508, %dma_wait3A_509] : memref<2x16x1024xf32, #tpu.memory_space<vmem>> -> memref<1x16x1024xf32, #tpu.memory_space<vmem>>
      %dma_wait3A_511 = tpu.memref_squeeze %dma_wait3A_510 : memref<1x16x1024xf32, #tpu.memory_space<vmem>> -> memref<16x1024xf32, #tpu.memory_space<vmem>>
      %dma_wait3A_512 = arith.constant 0 : i32
      %dma_wait3A_513 = tpu.memref_slice %arg7[%dma_wait3A_506, %dma_wait3A_512] : memref<16x16xi32, #tpu.memory_space<vmem>> -> memref<1x16xi32, #tpu.memory_space<vmem>>
      %dma_wait3A_514 = tpu.memref_squeeze %dma_wait3A_513 : memref<1x16xi32, #tpu.memory_space<vmem>> -> memref<16xi32, #tpu.memory_space<vmem>>
      %dma_wait3A_515 = arith.constant 0 : i32
      %dma_wait3A_516 = arith.constant 0 : i32
      %dma_wait3A_517 = tpu.memref_slice %arg3[%dma_wait3A_515, %dma_wait3A_516] : memref<4096x1024xf32, #tpu.memory_space<hbm>> -> memref<4096x1024xf32, #tpu.memory_space<hbm>>
      tpu.wait_indirect_dma semaphore(%arg19 : memref<!tpu.dma_semaphore, #tpu.memory_space<semaphore_mem>>) src(%dma_wait3A_517 : memref<4096x1024xf32, #tpu.memory_space<hbm>>) dst(%dma_wait3A_511 : memref<16x1024xf32, #tpu.memory_space<vmem>>)
      %dma_wait3A_518 = arith.constant 1 : i32
      %dma_wait3A_519 = arith.constant 0 : i32
      %dma_wait3A_520 = arith.constant 0 : i32
      %dma_wait3A_521 = arith.constant 0 : i32
      %dma_wait3A_522 = tpu.memref_slice %arg15[%dma_wait3A_518, %dma_wait3A_520, %dma_wait3A_521] : memref<2x128x128xf32, #tpu.memory_space<vmem>> -> memref<1x128x128xf32, #tpu.memory_space<vmem>>
      %dma_wait3A_523 = tpu.memref_squeeze %dma_wait3A_522 : memref<1x128x128xf32, #tpu.memory_space<vmem>> -> memref<128x128xf32, #tpu.memory_space<vmem>>
      %dma_wait3A_524 = arith.constant 0 : i32
      %dma_wait3A_525 = tpu.memref_slice %arg9[%dma_wait3A_519, %dma_wait3A_524] : memref<16x128xi32, #tpu.memory_space<vmem>> -> memref<1x128xi32, #tpu.memory_space<vmem>>
      %dma_wait3A_526 = tpu.memref_squeeze %dma_wait3A_525 : memref<1x128xi32, #tpu.memory_space<vmem>> -> memref<128xi32, #tpu.memory_space<vmem>>
      %dma_wait3A_527 = arith.constant 0 : i32
      %dma_wait3A_528 = arith.constant 0 : i32
      %dma_wait3A_529 = tpu.memref_slice %arg5[%dma_wait3A_527, %dma_wait3A_528] : memref<65568x128xf32, #tpu.memory_space<hbm>> -> memref<65568x128xf32, #tpu.memory_space<hbm>>
      tpu.wait_indirect_dma semaphore(%arg21 : memref<!tpu.dma_semaphore, #tpu.memory_space<semaphore_mem>>) src(%dma_wait3A_523 : memref<128x128xf32, #tpu.memory_space<vmem>>) dst(%dma_wait3A_529 : memref<65568x128xf32, #tpu.memory_space<hbm>>)
      %parallel_loop3A_530 = arith.constant 0 : i32
      %parallel_loop3A_531 = arith.constant 1024 : i32
      %parallel_loop3A_532 = arith.constant 1 : i32
      scf.for %parallel_loop3A_546 = %parallel_loop3A_530 to %parallel_loop3A_531 step %parallel_loop3A_532  : i32 {
        %parallel_loop3A_547 = arith.constant 6 : i32
        %parallel_loop3A_548 = arith.shrsi %parallel_loop3A_546, %parallel_loop3A_547 : i32
        %parallel_loop3A_549 = arith.constant 63 : i32
        %parallel_loop3A_550 = arith.andi %parallel_loop3A_546, %parallel_loop3A_549 : i32
        %parallel_loop3A_551 = arith.constant 4 : i32
        %parallel_loop3A_552 = arith.shli %parallel_loop3A_550, %parallel_loop3A_551 : i32
        %parallel_loop3A_553 = tpu.assume_multiple %parallel_loop3A_552, 16 : i32
        %parallel_loop3A_554 = arith.constant 7 : i32
        %parallel_loop3A_555 = arith.andi %parallel_loop3A_546, %parallel_loop3A_554 : i32
        %parallel_loop3A_556 = arith.constant 4 : i32
        %parallel_loop3A_557 = arith.shli %parallel_loop3A_555, %parallel_loop3A_556 : i32
        %parallel_loop3A_558 = tpu.assume_multiple %parallel_loop3A_557, 16 : i32
        %parallel_loop3A_559 = arith.constant 1 : i32
        %parallel_loop3A_560 = arith.index_cast %parallel_loop3A_559 : i32 to index
        %parallel_loop3A_561 = arith.index_cast %parallel_loop3A_548 : i32 to index
        %parallel_loop3A_562 = arith.index_cast %parallel_loop3A_553 : i32 to index
        %parallel_loop3A_563 = tpu.vector_load %arg13[%parallel_loop3A_560, %parallel_loop3A_561, %parallel_loop3A_562] {strides = array<i32>} : memref<2x16x1024xf32, #tpu.memory_space<vmem>>, vector<1x1x16xf32>,
        %parallel_loop3A_564 = vector.shape_cast %parallel_loop3A_563 : vector<1x1x16xf32> to vector<16xf32>
        %parallel_loop3A_565 = arith.constant 1 : i32
        %parallel_loop3A_566 = arith.index_cast %parallel_loop3A_565 : i32 to index
        %parallel_loop3A_567 = arith.index_cast %parallel_loop3A_548 : i32 to index
        %parallel_loop3A_568 = arith.index_cast %parallel_loop3A_553 : i32 to index
        %parallel_loop3A_569 = tpu.vector_load %arg14[%parallel_loop3A_566, %parallel_loop3A_567, %parallel_loop3A_568] {strides = array<i32>} : memref<2x16x1024xf32, #tpu.memory_space<vmem>>, vector<1x1x16xf32>,
        %parallel_loop3A_570 = vector.shape_cast %parallel_loop3A_569 : vector<1x1x16xf32> to vector<16xf32>
        %parallel_loop3A_571 = arith.addf %parallel_loop3A_564, %parallel_loop3A_570 : vector<16xf32>
        %parallel_loop3A_572 = arith.constant 3 : i32
        %parallel_loop3A_573 = arith.shli %parallel_loop3A_548, %parallel_loop3A_572 : i32
        %parallel_loop3A_574 = arith.constant 3 : i32
        %parallel_loop3A_575 = arith.shrsi %parallel_loop3A_546, %parallel_loop3A_574 : i32
        %parallel_loop3A_576 = arith.constant 7 : i32
        %parallel_loop3A_577 = arith.andi %parallel_loop3A_575, %parallel_loop3A_576 : i32
        %parallel_loop3A_578 = arith.addi %parallel_loop3A_573, %parallel_loop3A_577 : i32
        %parallel_loop3A_579 = arith.constant 1 : i32
        %parallel_loop3A_580 = arith.index_cast %parallel_loop3A_579 : i32 to index
        %parallel_loop3A_581 = arith.index_cast %parallel_loop3A_578 : i32 to index
        %parallel_loop3A_582 = arith.index_cast %parallel_loop3A_558 : i32 to index
        %parallel_loop3A_583 = tpu.vector_load %arg15[%parallel_loop3A_580, %parallel_loop3A_581, %parallel_loop3A_582] {strides = array<i32>} : memref<2x128x128xf32, #tpu.memory_space<vmem>>, vector<1x1x16xf32>,
        %parallel_loop3A_584 = vector.shape_cast %parallel_loop3A_583 : vector<1x1x16xf32> to vector<16xf32>
        %parallel_loop3A_585 = vector.shape_cast %parallel_loop3A_571 : vector<16xf32> to vector<1x1x16xf32>
        tpu.vector_store %arg15[%parallel_loop3A_580, %parallel_loop3A_581, %parallel_loop3A_582], %parallel_loop3A_585 {strides = array<i32>} : memref<2x128x128xf32, #tpu.memory_space<vmem>>, vector<1x1x16xf32>,
      } {sc.loop_unroll_factor = 8 : i64, sc.parallel_access}
      %add3A_533 = arith.constant 1 : i32
      %add3A_534 = arith.addi %mul3A_395, %add3A_533 : i32
      %dma_start3A_535 = arith.constant 1 : i32
      %dma_start3A_536 = arith.constant 0 : i32
      %dma_start3A_537 = arith.constant 0 : i32
      %dma_start3A_538 = tpu.memref_slice %arg15[%dma_start3A_535, %dma_start3A_536, %dma_start3A_537] : memref<2x128x128xf32, #tpu.memory_space<vmem>> -> memref<1x128x128xf32, #tpu.memory_space<vmem>>
      %dma_start3A_539 = tpu.memref_squeeze %dma_start3A_538 : memref<1x128x128xf32, #tpu.memory_space<vmem>> -> memref<128x128xf32, #tpu.memory_space<vmem>>
      %dma_start3A_540 = arith.constant 0 : i32
      %dma_start3A_541 = tpu.memref_slice %arg9[%add3A_534, %dma_start3A_540] : memref<16x128xi32, #tpu.memory_space<vmem>> -> memref<1x128xi32, #tpu.memory_space<vmem>>
      %dma_start3A_542 = tpu.memref_squeeze %dma_start3A_541 : memref<1x128xi32, #tpu.memory_space<vmem>> -> memref<128xi32, #tpu.memory_space<vmem>>
      %dma_start3A_543 = arith.constant 0 : i32
      %dma_start3A_544 = arith.constant 0 : i32
      %dma_start3A_545 = tpu.memref_slice %arg5[%dma_start3A_543, %dma_start3A_544] : memref<65568x128xf32, #tpu.memory_space<hbm>> -> memref<65568x128xf32, #tpu.memory_space<hbm>>
      tpu.enqueue_indirect_dma source(%dma_start3A_539 : memref<128x128xf32, #tpu.memory_space<vmem>>) target(%dma_start3A_545 : memref<65568x128xf32, #tpu.memory_space<hbm>>) offsets(%dma_start3A_542 : memref<128xi32, #tpu.memory_space<vmem>>) semaphore(%arg21 : memref<!tpu.dma_semaphore, #tpu.memory_space<semaphore_mem>>)
    }
    %scan3A_235 = arith.constant 6 : i32
    %dma_start3A_236 = arith.constant 15 : i32
    %dma_start3A_237 = arith.constant 1 : i32
    %dma_start3A_238 = arith.constant 0 : i32
    %dma_start3A_239 = arith.constant 0 : i32
    %dma_start3A_240 = tpu.memref_slice %arg13[%dma_start3A_237, %dma_start3A_238, %dma_start3A_239] : memref<2x16x1024xf32, #tpu.memory_space<vmem>> -> memref<1x16x1024xf32, #tpu.memory_space<vmem>>
    %dma_start3A_241 = tpu.memref_squeeze %dma_start3A_240 : memref<1x16x1024xf32, #tpu.memory_space<vmem>> -> memref<16x1024xf32, #tpu.memory_space<vmem>>
    %dma_start3A_242 = arith.constant 0 : i32
    %dma_start3A_243 = tpu.memref_slice %arg8[%dma_start3A_236, %dma_start3A_242] : memref<16x16xi32, #tpu.memory_space<vmem>> -> memref<1x16xi32, #tpu.memory_space<vmem>>
    %dma_start3A_244 = tpu.memref_squeeze %dma_start3A_243 : memref<1x16xi32, #tpu.memory_space<vmem>> -> memref<16xi32, #tpu.memory_space<vmem>>
    %dma_start3A_245 = arith.constant 0 : i32
    %dma_start3A_246 = arith.constant 0 : i32
    %dma_start3A_247 = tpu.memref_slice %arg2[%dma_start3A_245, %dma_start3A_246] : memref<16384x1024xf32, #tpu.memory_space<hbm>> -> memref<16384x1024xf32, #tpu.memory_space<hbm>>
    tpu.enqueue_indirect_dma source(%dma_start3A_247 : memref<16384x1024xf32, #tpu.memory_space<hbm>>) target(%dma_start3A_241 : memref<16x1024xf32, #tpu.memory_space<vmem>>) offsets(%dma_start3A_244 : memref<16xi32, #tpu.memory_space<vmem>>) semaphore(%arg17 : memref<!tpu.dma_semaphore, #tpu.memory_space<semaphore_mem>>)
    %dma_start3A_248 = arith.constant 15 : i32
    %dma_start3A_249 = arith.constant 1 : i32
    %dma_start3A_250 = arith.constant 0 : i32
    %dma_start3A_251 = arith.constant 0 : i32
    %dma_start3A_252 = tpu.memref_slice %arg14[%dma_start3A_249, %dma_start3A_250, %dma_start3A_251] : memref<2x16x1024xf32, #tpu.memory_space<vmem>> -> memref<1x16x1024xf32, #tpu.memory_space<vmem>>
    %dma_start3A_253 = tpu.memref_squeeze %dma_start3A_252 : memref<1x16x1024xf32, #tpu.memory_space<vmem>> -> memref<16x1024xf32, #tpu.memory_space<vmem>>
    %dma_start3A_254 = arith.constant 0 : i32
    %dma_start3A_255 = tpu.memref_slice %arg7[%dma_start3A_248, %dma_start3A_254] : memref<16x16xi32, #tpu.memory_space<vmem>> -> memref<1x16xi32, #tpu.memory_space<vmem>>
    %dma_start3A_256 = tpu.memref_squeeze %dma_start3A_255 : memref<1x16xi32, #tpu.memory_space<vmem>> -> memref<16xi32, #tpu.memory_space<vmem>>
    %dma_start3A_257 = arith.constant 0 : i32
    %dma_start3A_258 = arith.constant 0 : i32
    %dma_start3A_259 = tpu.memref_slice %arg3[%dma_start3A_257, %dma_start3A_258] : memref<4096x1024xf32, #tpu.memory_space<hbm>> -> memref<4096x1024xf32, #tpu.memory_space<hbm>>
    tpu.enqueue_indirect_dma source(%dma_start3A_259 : memref<4096x1024xf32, #tpu.memory_space<hbm>>) target(%dma_start3A_253 : memref<16x1024xf32, #tpu.memory_space<vmem>>) offsets(%dma_start3A_256 : memref<16xi32, #tpu.memory_space<vmem>>) semaphore(%arg19 : memref<!tpu.dma_semaphore, #tpu.memory_space<semaphore_mem>>)
    %dma_wait3A_260 = arith.constant 0 : i32
    %dma_wait3A_261 = arith.constant 0 : i32
    %dma_wait3A_262 = arith.constant 0 : i32
    %dma_wait3A_263 = arith.constant 0 : i32
    %dma_wait3A_264 = tpu.memref_slice %arg13[%dma_wait3A_261, %dma_wait3A_262, %dma_wait3A_263] : memref<2x16x1024xf32, #tpu.memory_space<vmem>> -> memref<1x16x1024xf32, #tpu.memory_space<vmem>>
    %dma_wait3A_265 = tpu.memref_squeeze %dma_wait3A_264 : memref<1x16x1024xf32, #tpu.memory_space<vmem>> -> memref<16x1024xf32, #tpu.memory_space<vmem>>
    %dma_wait3A_266 = arith.constant 0 : i32
    %dma_wait3A_267 = tpu.memref_slice %arg8[%dma_wait3A_260, %dma_wait3A_266] : memref<16x16xi32, #tpu.memory_space<vmem>> -> memref<1x16xi32, #tpu.memory_space<vmem>>
    %dma_wait3A_268 = tpu.memref_squeeze %dma_wait3A_267 : memref<1x16xi32, #tpu.memory_space<vmem>> -> memref<16xi32, #tpu.memory_space<vmem>>
    %dma_wait3A_269 = arith.constant 0 : i32
    %dma_wait3A_270 = arith.constant 0 : i32
    %dma_wait3A_271 = tpu.memref_slice %arg2[%dma_wait3A_269, %dma_wait3A_270] : memref<16384x1024xf32, #tpu.memory_space<hbm>> -> memref<16384x1024xf32, #tpu.memory_space<hbm>>
    tpu.wait_indirect_dma semaphore(%arg16 : memref<!tpu.dma_semaphore, #tpu.memory_space<semaphore_mem>>) src(%dma_wait3A_271 : memref<16384x1024xf32, #tpu.memory_space<hbm>>) dst(%dma_wait3A_265 : memref<16x1024xf32, #tpu.memory_space<vmem>>)
    %dma_wait3A_272 = arith.constant 0 : i32
    %dma_wait3A_273 = arith.constant 0 : i32
    %dma_wait3A_274 = arith.constant 0 : i32
    %dma_wait3A_275 = arith.constant 0 : i32
    %dma_wait3A_276 = tpu.memref_slice %arg14[%dma_wait3A_273, %dma_wait3A_274, %dma_wait3A_275] : memref<2x16x1024xf32, #tpu.memory_space<vmem>> -> memref<1x16x1024xf32, #tpu.memory_space<vmem>>
    %dma_wait3A_277 = tpu.memref_squeeze %dma_wait3A_276 : memref<1x16x1024xf32, #tpu.memory_space<vmem>> -> memref<16x1024xf32, #tpu.memory_space<vmem>>
    %dma_wait3A_278 = arith.constant 0 : i32
    %dma_wait3A_279 = tpu.memref_slice %arg7[%dma_wait3A_272, %dma_wait3A_278] : memref<16x16xi32, #tpu.memory_space<vmem>> -> memref<1x16xi32, #tpu.memory_space<vmem>>
    %dma_wait3A_280 = tpu.memref_squeeze %dma_wait3A_279 : memref<1x16xi32, #tpu.memory_space<vmem>> -> memref<16xi32, #tpu.memory_space<vmem>>
    %dma_wait3A_281 = arith.constant 0 : i32
    %dma_wait3A_282 = arith.constant 0 : i32
    %dma_wait3A_283 = tpu.memref_slice %arg3[%dma_wait3A_281, %dma_wait3A_282] : memref<4096x1024xf32, #tpu.memory_space<hbm>> -> memref<4096x1024xf32, #tpu.memory_space<hbm>>
    tpu.wait_indirect_dma semaphore(%arg18 : memref<!tpu.dma_semaphore, #tpu.memory_space<semaphore_mem>>) src(%dma_wait3A_283 : memref<4096x1024xf32, #tpu.memory_space<hbm>>) dst(%dma_wait3A_277 : memref<16x1024xf32, #tpu.memory_space<vmem>>)
    %dma_wait3A_284 = arith.constant 0 : i32
    %dma_wait3A_285 = arith.constant 0 : i32
    %dma_wait3A_286 = arith.constant 0 : i32
    %dma_wait3A_287 = arith.constant 0 : i32
    %dma_wait3A_288 = tpu.memref_slice %arg15[%dma_wait3A_284, %dma_wait3A_286, %dma_wait3A_287] : memref<2x128x128xf32, #tpu.memory_space<vmem>> -> memref<1x128x128xf32, #tpu.memory_space<vmem>>
    %dma_wait3A_289 = tpu.memref_squeeze %dma_wait3A_288 : memref<1x128x128xf32, #tpu.memory_space<vmem>> -> memref<128x128xf32, #tpu.memory_space<vmem>>
    %dma_wait3A_290 = arith.constant 0 : i32
    %dma_wait3A_291 = tpu.memref_slice %arg9[%dma_wait3A_285, %dma_wait3A_290] : memref<16x128xi32, #tpu.memory_space<vmem>> -> memref<1x128xi32, #tpu.memory_space<vmem>>
    %dma_wait3A_292 = tpu.memref_squeeze %dma_wait3A_291 : memref<1x128xi32, #tpu.memory_space<vmem>> -> memref<128xi32, #tpu.memory_space<vmem>>
    %dma_wait3A_293 = arith.constant 0 : i32
    %dma_wait3A_294 = arith.constant 0 : i32
    %dma_wait3A_295 = tpu.memref_slice %arg5[%dma_wait3A_293, %dma_wait3A_294] : memref<65568x128xf32, #tpu.memory_space<hbm>> -> memref<65568x128xf32, #tpu.memory_space<hbm>>
    tpu.wait_indirect_dma semaphore(%arg20 : memref<!tpu.dma_semaphore, #tpu.memory_space<semaphore_mem>>) src(%dma_wait3A_289 : memref<128x128xf32, #tpu.memory_space<vmem>>) dst(%dma_wait3A_295 : memref<65568x128xf32, #tpu.memory_space<hbm>>)
    %parallel_loop3A_296 = arith.constant 0 : i32
    %parallel_loop3A_297 = arith.constant 1024 : i32
    %parallel_loop3A_298 = arith.constant 1 : i32
    scf.for %parallel_loop3A_389 = %parallel_loop3A_296 to %parallel_loop3A_297 step %parallel_loop3A_298  : i32 {
      %parallel_loop3A_390 = arith.constant 6 : i32
      %parallel_loop3A_391 = arith.shrsi %parallel_loop3A_389, %parallel_loop3A_390 : i32
      %parallel_loop3A_392 = arith.constant 63 : i32
      %parallel_loop3A_393 = arith.andi %parallel_loop3A_389, %parallel_loop3A_392 : i32
      %parallel_loop3A_394 = arith.constant 4 : i32
      %parallel_loop3A_395 = arith.shli %parallel_loop3A_393, %parallel_loop3A_394 : i32
      %parallel_loop3A_396 = tpu.assume_multiple %parallel_loop3A_395, 16 : i32
      %parallel_loop3A_397 = arith.constant 7 : i32
      %parallel_loop3A_398 = arith.andi %parallel_loop3A_389, %parallel_loop3A_397 : i32
      %parallel_loop3A_399 = arith.constant 4 : i32
      %parallel_loop3A_400 = arith.shli %parallel_loop3A_398, %parallel_loop3A_399 : i32
      %parallel_loop3A_401 = tpu.assume_multiple %parallel_loop3A_400, 16 : i32
      %parallel_loop3A_402 = arith.constant 0 : i32
      %parallel_loop3A_403 = arith.index_cast %parallel_loop3A_402 : i32 to index
      %parallel_loop3A_404 = arith.index_cast %parallel_loop3A_391 : i32 to index
      %parallel_loop3A_405 = arith.index_cast %parallel_loop3A_396 : i32 to index
      %parallel_loop3A_406 = tpu.vector_load %arg13[%parallel_loop3A_403, %parallel_loop3A_404, %parallel_loop3A_405] {strides = array<i32>} : memref<2x16x1024xf32, #tpu.memory_space<vmem>>, vector<1x1x16xf32>,
      %parallel_loop3A_407 = vector.shape_cast %parallel_loop3A_406 : vector<1x1x16xf32> to vector<16xf32>
      %parallel_loop3A_408 = arith.constant 0 : i32
      %parallel_loop3A_409 = arith.index_cast %parallel_loop3A_408 : i32 to index
      %parallel_loop3A_410 = arith.index_cast %parallel_loop3A_391 : i32 to index
      %parallel_loop3A_411 = arith.index_cast %parallel_loop3A_396 : i32 to index
      %parallel_loop3A_412 = tpu.vector_load %arg14[%parallel_loop3A_409, %parallel_loop3A_410, %parallel_loop3A_411] {strides = array<i32>} : memref<2x16x1024xf32, #tpu.memory_space<vmem>>, vector<1x1x16xf32>,
      %parallel_loop3A_413 = vector.shape_cast %parallel_loop3A_412 : vector<1x1x16xf32> to vector<16xf32>
      %parallel_loop3A_414 = arith.addf %parallel_loop3A_407, %parallel_loop3A_413 : vector<16xf32>
      %parallel_loop3A_415 = arith.constant 3 : i32
      %parallel_loop3A_416 = arith.shli %parallel_loop3A_391, %parallel_loop3A_415 : i32
      %parallel_loop3A_417 = arith.constant 3 : i32
      %parallel_loop3A_418 = arith.shrsi %parallel_loop3A_389, %parallel_loop3A_417 : i32
      %parallel_loop3A_419 = arith.constant 7 : i32
      %parallel_loop3A_420 = arith.andi %parallel_loop3A_418, %parallel_loop3A_419 : i32
      %parallel_loop3A_421 = arith.addi %parallel_loop3A_416, %parallel_loop3A_420 : i32
      %parallel_loop3A_422 = arith.constant 0 : i32
      %parallel_loop3A_423 = arith.index_cast %parallel_loop3A_422 : i32 to index
      %parallel_loop3A_424 = arith.index_cast %parallel_loop3A_421 : i32 to index
      %parallel_loop3A_425 = arith.index_cast %parallel_loop3A_401 : i32 to index
      %parallel_loop3A_426 = tpu.vector_load %arg15[%parallel_loop3A_423, %parallel_loop3A_424, %parallel_loop3A_425] {strides = array<i32>} : memref<2x128x128xf32, #tpu.memory_space<vmem>>, vector<1x1x16xf32>,
      %parallel_loop3A_427 = vector.shape_cast %parallel_loop3A_426 : vector<1x1x16xf32> to vector<16xf32>
      %parallel_loop3A_428 = vector.shape_cast %parallel_loop3A_414 : vector<16xf32> to vector<1x1x16xf32>
      tpu.vector_store %arg15[%parallel_loop3A_423, %parallel_loop3A_424, %parallel_loop3A_425], %parallel_loop3A_428 {strides = array<i32>} : memref<2x128x128xf32, #tpu.memory_space<vmem>>, vector<1x1x16xf32>,
    } {sc.loop_unroll_factor = 8 : i64, sc.parallel_access}
    %dma_start3A_299 = arith.constant 0 : i32
    %dma_start3A_300 = arith.constant 14 : i32
    %dma_start3A_301 = arith.constant 0 : i32
    %dma_start3A_302 = arith.constant 0 : i32
    %dma_start3A_303 = tpu.memref_slice %arg15[%dma_start3A_299, %dma_start3A_301, %dma_start3A_302] : memref<2x128x128xf32, #tpu.memory_space<vmem>> -> memref<1x128x128xf32, #tpu.memory_space<vmem>>
    %dma_start3A_304 = tpu.memref_squeeze %dma_start3A_303 : memref<1x128x128xf32, #tpu.memory_space<vmem>> -> memref<128x128xf32, #tpu.memory_space<vmem>>
    %dma_start3A_305 = arith.constant 0 : i32
    %dma_start3A_306 = tpu.memref_slice %arg9[%dma_start3A_300, %dma_start3A_305] : memref<16x128xi32, #tpu.memory_space<vmem>> -> memref<1x128xi32, #tpu.memory_space<vmem>>
    %dma_start3A_307 = tpu.memref_squeeze %dma_start3A_306 : memref<1x128xi32, #tpu.memory_space<vmem>> -> memref<128xi32, #tpu.memory_space<vmem>>
    %dma_start3A_308 = arith.constant 0 : i32
    %dma_start3A_309 = arith.constant 0 : i32
    %dma_start3A_310 = tpu.memref_slice %arg5[%dma_start3A_308, %dma_start3A_309] : memref<65568x128xf32, #tpu.memory_space<hbm>> -> memref<65568x128xf32, #tpu.memory_space<hbm>>
    tpu.enqueue_indirect_dma source(%dma_start3A_304 : memref<128x128xf32, #tpu.memory_space<vmem>>) target(%dma_start3A_310 : memref<65568x128xf32, #tpu.memory_space<hbm>>) offsets(%dma_start3A_307 : memref<128xi32, #tpu.memory_space<vmem>>) semaphore(%arg20 : memref<!tpu.dma_semaphore, #tpu.memory_space<semaphore_mem>>)
    %dma_wait3A_311 = arith.constant 0 : i32
    %dma_wait3A_312 = arith.constant 1 : i32
    %dma_wait3A_313 = arith.constant 0 : i32
    %dma_wait3A_314 = arith.constant 0 : i32
    %dma_wait3A_315 = tpu.memref_slice %arg13[%dma_wait3A_312, %dma_wait3A_313, %dma_wait3A_314] : memref<2x16x1024xf32, #tpu.memory_space<vmem>> -> memref<1x16x1024xf32, #tpu.memory_space<vmem>>
    %dma_wait3A_316 = tpu.memref_squeeze %dma_wait3A_315 : memref<1x16x1024xf32, #tpu.memory_space<vmem>> -> memref<16x1024xf32, #tpu.memory_space<vmem>>
    %dma_wait3A_317 = arith.constant 0 : i32
    %dma_wait3A_318 = tpu.memref_slice %arg8[%dma_wait3A_311, %dma_wait3A_317] : memref<16x16xi32, #tpu.memory_space<vmem>> -> memref<1x16xi32, #tpu.memory_space<vmem>>
    %dma_wait3A_319 = tpu.memref_squeeze %dma_wait3A_318 : memref<1x16xi32, #tpu.memory_space<vmem>> -> memref<16xi32, #tpu.memory_space<vmem>>
    %dma_wait3A_320 = arith.constant 0 : i32
    %dma_wait3A_321 = arith.constant 0 : i32
    %dma_wait3A_322 = tpu.memref_slice %arg2[%dma_wait3A_320, %dma_wait3A_321] : memref<16384x1024xf32, #tpu.memory_space<hbm>> -> memref<16384x1024xf32, #tpu.memory_space<hbm>>
    tpu.wait_indirect_dma semaphore(%arg17 : memref<!tpu.dma_semaphore, #tpu.memory_space<semaphore_mem>>) src(%dma_wait3A_322 : memref<16384x1024xf32, #tpu.memory_space<hbm>>) dst(%dma_wait3A_316 : memref<16x1024xf32, #tpu.memory_space<vmem>>)
    %dma_wait3A_323 = arith.constant 0 : i32
    %dma_wait3A_324 = arith.constant 1 : i32
    %dma_wait3A_325 = arith.constant 0 : i32
    %dma_wait3A_326 = arith.constant 0 : i32
    %dma_wait3A_327 = tpu.memref_slice %arg14[%dma_wait3A_324, %dma_wait3A_325, %dma_wait3A_326] : memref<2x16x1024xf32, #tpu.memory_space<vmem>> -> memref<1x16x1024xf32, #tpu.memory_space<vmem>>
    %dma_wait3A_328 = tpu.memref_squeeze %dma_wait3A_327 : memref<1x16x1024xf32, #tpu.memory_space<vmem>> -> memref<16x1024xf32, #tpu.memory_space<vmem>>
    %dma_wait3A_329 = arith.constant 0 : i32
    %dma_wait3A_330 = tpu.memref_slice %arg7[%dma_wait3A_323, %dma_wait3A_329] : memref<16x16xi32, #tpu.memory_space<vmem>> -> memref<1x16xi32, #tpu.memory_space<vmem>>
    %dma_wait3A_331 = tpu.memref_squeeze %dma_wait3A_330 : memref<1x16xi32, #tpu.memory_space<vmem>> -> memref<16xi32, #tpu.memory_space<vmem>>
    %dma_wait3A_332 = arith.constant 0 : i32
    %dma_wait3A_333 = arith.constant 0 : i32
    %dma_wait3A_334 = tpu.memref_slice %arg3[%dma_wait3A_332, %dma_wait3A_333] : memref<4096x1024xf32, #tpu.memory_space<hbm>> -> memref<4096x1024xf32, #tpu.memory_space<hbm>>
    tpu.wait_indirect_dma semaphore(%arg19 : memref<!tpu.dma_semaphore, #tpu.memory_space<semaphore_mem>>) src(%dma_wait3A_334 : memref<4096x1024xf32, #tpu.memory_space<hbm>>) dst(%dma_wait3A_328 : memref<16x1024xf32, #tpu.memory_space<vmem>>)
    %dma_wait3A_335 = arith.constant 1 : i32
    %dma_wait3A_336 = arith.constant 0 : i32
    %dma_wait3A_337 = arith.constant 0 : i32
    %dma_wait3A_338 = arith.constant 0 : i32
    %dma_wait3A_339 = tpu.memref_slice %arg15[%dma_wait3A_335, %dma_wait3A_337, %dma_wait3A_338] : memref<2x128x128xf32, #tpu.memory_space<vmem>> -> memref<1x128x128xf32, #tpu.memory_space<vmem>>
    %dma_wait3A_340 = tpu.memref_squeeze %dma_wait3A_339 : memref<1x128x128xf32, #tpu.memory_space<vmem>> -> memref<128x128xf32, #tpu.memory_space<vmem>>
    %dma_wait3A_341 = arith.constant 0 : i32
    %dma_wait3A_342 = tpu.memref_slice %arg9[%dma_wait3A_336, %dma_wait3A_341] : memref<16x128xi32, #tpu.memory_space<vmem>> -> memref<1x128xi32, #tpu.memory_space<vmem>>
    %dma_wait3A_343 = tpu.memref_squeeze %dma_wait3A_342 : memref<1x128xi32, #tpu.memory_space<vmem>> -> memref<128xi32, #tpu.memory_space<vmem>>
    %dma_wait3A_344 = arith.constant 0 : i32
    %dma_wait3A_345 = arith.constant 0 : i32
    %dma_wait3A_346 = tpu.memref_slice %arg5[%dma_wait3A_344, %dma_wait3A_345] : memref<65568x128xf32, #tpu.memory_space<hbm>> -> memref<65568x128xf32, #tpu.memory_space<hbm>>
    tpu.wait_indirect_dma semaphore(%arg21 : memref<!tpu.dma_semaphore, #tpu.memory_space<semaphore_mem>>) src(%dma_wait3A_340 : memref<128x128xf32, #tpu.memory_space<vmem>>) dst(%dma_wait3A_346 : memref<65568x128xf32, #tpu.memory_space<hbm>>)
    %parallel_loop3A_347 = arith.constant 0 : i32
    %parallel_loop3A_348 = arith.constant 1024 : i32
    %parallel_loop3A_349 = arith.constant 1 : i32
    scf.for %parallel_loop3A_389 = %parallel_loop3A_347 to %parallel_loop3A_348 step %parallel_loop3A_349  : i32 {
      %parallel_loop3A_390 = arith.constant 6 : i32
      %parallel_loop3A_391 = arith.shrsi %parallel_loop3A_389, %parallel_loop3A_390 : i32
      %parallel_loop3A_392 = arith.constant 63 : i32
      %parallel_loop3A_393 = arith.andi %parallel_loop3A_389, %parallel_loop3A_392 : i32
      %parallel_loop3A_394 = arith.constant 4 : i32
      %parallel_loop3A_395 = arith.shli %parallel_loop3A_393, %parallel_loop3A_394 : i32
      %parallel_loop3A_396 = tpu.assume_multiple %parallel_loop3A_395, 16 : i32
      %parallel_loop3A_397 = arith.constant 7 : i32
      %parallel_loop3A_398 = arith.andi %parallel_loop3A_389, %parallel_loop3A_397 : i32
      %parallel_loop3A_399 = arith.constant 4 : i32
      %parallel_loop3A_400 = arith.shli %parallel_loop3A_398, %parallel_loop3A_399 : i32
      %parallel_loop3A_401 = tpu.assume_multiple %parallel_loop3A_400, 16 : i32
      %parallel_loop3A_402 = arith.constant 1 : i32
      %parallel_loop3A_403 = arith.index_cast %parallel_loop3A_402 : i32 to index
      %parallel_loop3A_404 = arith.index_cast %parallel_loop3A_391 : i32 to index
      %parallel_loop3A_405 = arith.index_cast %parallel_loop3A_396 : i32 to index
      %parallel_loop3A_406 = tpu.vector_load %arg13[%parallel_loop3A_403, %parallel_loop3A_404, %parallel_loop3A_405] {strides = array<i32>} : memref<2x16x1024xf32, #tpu.memory_space<vmem>>, vector<1x1x16xf32>,
      %parallel_loop3A_407 = vector.shape_cast %parallel_loop3A_406 : vector<1x1x16xf32> to vector<16xf32>
      %parallel_loop3A_408 = arith.constant 1 : i32
      %parallel_loop3A_409 = arith.index_cast %parallel_loop3A_408 : i32 to index
      %parallel_loop3A_410 = arith.index_cast %parallel_loop3A_391 : i32 to index
      %parallel_loop3A_411 = arith.index_cast %parallel_loop3A_396 : i32 to index
      %parallel_loop3A_412 = tpu.vector_load %arg14[%parallel_loop3A_409, %parallel_loop3A_410, %parallel_loop3A_411] {strides = array<i32>} : memref<2x16x1024xf32, #tpu.memory_space<vmem>>, vector<1x1x16xf32>,
      %parallel_loop3A_413 = vector.shape_cast %parallel_loop3A_412 : vector<1x1x16xf32> to vector<16xf32>
      %parallel_loop3A_414 = arith.addf %parallel_loop3A_407, %parallel_loop3A_413 : vector<16xf32>
      %parallel_loop3A_415 = arith.constant 3 : i32
      %parallel_loop3A_416 = arith.shli %parallel_loop3A_391, %parallel_loop3A_415 : i32
      %parallel_loop3A_417 = arith.constant 3 : i32
      %parallel_loop3A_418 = arith.shrsi %parallel_loop3A_389, %parallel_loop3A_417 : i32
      %parallel_loop3A_419 = arith.constant 7 : i32
      %parallel_loop3A_420 = arith.andi %parallel_loop3A_418, %parallel_loop3A_419 : i32
      %parallel_loop3A_421 = arith.addi %parallel_loop3A_416, %parallel_loop3A_420 : i32
      %parallel_loop3A_422 = arith.constant 1 : i32
      %parallel_loop3A_423 = arith.index_cast %parallel_loop3A_422 : i32 to index
      %parallel_loop3A_424 = arith.index_cast %parallel_loop3A_421 : i32 to index
      %parallel_loop3A_425 = arith.index_cast %parallel_loop3A_401 : i32 to index
      %parallel_loop3A_426 = tpu.vector_load %arg15[%parallel_loop3A_423, %parallel_loop3A_424, %parallel_loop3A_425] {strides = array<i32>} : memref<2x128x128xf32, #tpu.memory_space<vmem>>, vector<1x1x16xf32>,
      %parallel_loop3A_427 = vector.shape_cast %parallel_loop3A_426 : vector<1x1x16xf32> to vector<16xf32>
      %parallel_loop3A_428 = vector.shape_cast %parallel_loop3A_414 : vector<16xf32> to vector<1x1x16xf32>
      tpu.vector_store %arg15[%parallel_loop3A_423, %parallel_loop3A_424, %parallel_loop3A_425], %parallel_loop3A_428 {strides = array<i32>} : memref<2x128x128xf32, #tpu.memory_space<vmem>>, vector<1x1x16xf32>,
    } {sc.loop_unroll_factor = 8 : i64, sc.parallel_access}
    %dma_start3A_350 = arith.constant 1 : i32
    %dma_start3A_351 = arith.constant 15 : i32
    %dma_start3A_352 = arith.constant 0 : i32
    %dma_start3A_353 = arith.constant 0 : i32
    %dma_start3A_354 = tpu.memref_slice %arg15[%dma_start3A_350, %dma_start3A_352, %dma_start3A_353] : memref<2x128x128xf32, #tpu.memory_space<vmem>> -> memref<1x128x128xf32, #tpu.memory_space<vmem>>
    %dma_start3A_355 = tpu.memref_squeeze %dma_start3A_354 : memref<1x128x128xf32, #tpu.memory_space<vmem>> -> memref<128x128xf32, #tpu.memory_space<vmem>>
    %dma_start3A_356 = arith.constant 0 : i32
    %dma_start3A_357 = tpu.memref_slice %arg9[%dma_start3A_351, %dma_start3A_356] : memref<16x128xi32, #tpu.memory_space<vmem>> -> memref<1x128xi32, #tpu.memory_space<vmem>>
    %dma_start3A_358 = tpu.memref_squeeze %dma_start3A_357 : memref<1x128xi32, #tpu.memory_space<vmem>> -> memref<128xi32, #tpu.memory_space<vmem>>
    %dma_start3A_359 = arith.constant 0 : i32
    %dma_start3A_360 = arith.constant 0 : i32
    %dma_start3A_361 = tpu.memref_slice %arg5[%dma_start3A_359, %dma_start3A_360] : memref<65568x128xf32, #tpu.memory_space<hbm>> -> memref<65568x128xf32, #tpu.memory_space<hbm>>
    tpu.enqueue_indirect_dma source(%dma_start3A_355 : memref<128x128xf32, #tpu.memory_space<vmem>>) target(%dma_start3A_361 : memref<65568x128xf32, #tpu.memory_space<hbm>>) offsets(%dma_start3A_358 : memref<128xi32, #tpu.memory_space<vmem>>) semaphore(%arg21 : memref<!tpu.dma_semaphore, #tpu.memory_space<semaphore_mem>>)
    %dma_wait3A_362 = arith.constant 0 : i32
    %dma_wait3A_363 = arith.constant 0 : i32
    %dma_wait3A_364 = arith.constant 0 : i32
    %dma_wait3A_365 = arith.constant 0 : i32
    %dma_wait3A_366 = tpu.memref_slice %arg15[%dma_wait3A_362, %dma_wait3A_364, %dma_wait3A_365] : memref<2x128x128xf32, #tpu.memory_space<vmem>> -> memref<1x128x128xf32, #tpu.memory_space<vmem>>
    %dma_wait3A_367 = tpu.memref_squeeze %dma_wait3A_366 : memref<1x128x128xf32, #tpu.memory_space<vmem>> -> memref<128x128xf32, #tpu.memory_space<vmem>>
    %dma_wait3A_368 = arith.constant 0 : i32
    %dma_wait3A_369 = tpu.memref_slice %arg9[%dma_wait3A_363, %dma_wait3A_368] : memref<16x128xi32, #tpu.memory_space<vmem>> -> memref<1x128xi32, #tpu.memory_space<vmem>>
    %dma_wait3A_370 = tpu.memref_squeeze %dma_wait3A_369 : memref<1x128xi32, #tpu.memory_space<vmem>> -> memref<128xi32, #tpu.memory_space<vmem>>
    %dma_wait3A_371 = arith.constant 0 : i32
    %dma_wait3A_372 = arith.constant 0 : i32
    %dma_wait3A_373 = tpu.memref_slice %arg5[%dma_wait3A_371, %dma_wait3A_372] : memref<65568x128xf32, #tpu.memory_space<hbm>> -> memref<65568x128xf32, #tpu.memory_space<hbm>>
    tpu.wait_indirect_dma semaphore(%arg20 : memref<!tpu.dma_semaphore, #tpu.memory_space<semaphore_mem>>) src(%dma_wait3A_367 : memref<128x128xf32, #tpu.memory_space<vmem>>) dst(%dma_wait3A_373 : memref<65568x128xf32, #tpu.memory_space<hbm>>)
    %dma_wait3A_374 = arith.constant 1 : i32
    %dma_wait3A_375 = arith.constant 0 : i32
    %dma_wait3A_376 = arith.constant 0 : i32
    %dma_wait3A_377 = arith.constant 0 : i32
    %dma_wait3A_378 = tpu.memref_slice %arg15[%dma_wait3A_374, %dma_wait3A_376, %dma_wait3A_377] : memref<2x128x128xf32, #tpu.memory_space<vmem>> -> memref<1x128x128xf32, #tpu.memory_space<vmem>>
    %dma_wait3A_379 = tpu.memref_squeeze %dma_wait3A_378 : memref<1x128x128xf32, #tpu.memory_space<vmem>> -> memref<128x128xf32, #tpu.memory_space<vmem>>
    %dma_wait3A_380 = arith.constant 0 : i32
    %dma_wait3A_381 = tpu.memref_slice %arg9[%dma_wait3A_375, %dma_wait3A_380] : memref<16x128xi32, #tpu.memory_space<vmem>> -> memref<1x128xi32, #tpu.memory_space<vmem>>
    %dma_wait3A_382 = tpu.memref_squeeze %dma_wait3A_381 : memref<1x128xi32, #tpu.memory_space<vmem>> -> memref<128xi32, #tpu.memory_space<vmem>>
    %dma_wait3A_383 = arith.constant 0 : i32
    %dma_wait3A_384 = arith.constant 0 : i32
    %dma_wait3A_385 = tpu.memref_slice %arg5[%dma_wait3A_383, %dma_wait3A_384] : memref<65568x128xf32, #tpu.memory_space<hbm>> -> memref<65568x128xf32, #tpu.memory_space<hbm>>
    tpu.wait_indirect_dma semaphore(%arg21 : memref<!tpu.dma_semaphore, #tpu.memory_space<semaphore_mem>>) src(%dma_wait3A_379 : memref<128x128xf32, #tpu.memory_space<vmem>>) dst(%dma_wait3A_385 : memref<65568x128xf32, #tpu.memory_space<hbm>>)
    %convert_element_type3A_386 = arith.extui %eq3A : i1 to i32
    %cond3A_387 = arith.constant 0 : i32
    %cond3A_388 = arith.cmpi ne, %convert_element_type3A_386, %cond3A_387 : i32
    scf.if %cond3A_388 {
      %dma_wait3A_389 = arith.constant 0 : i32
      %dma_wait3A_390 = arith.constant 0 : i32
      %dma_wait3A_391 = tpu.memref_slice %arg2[%dma_wait3A_389, %dma_wait3A_390] : memref<16384x1024xf32, #tpu.memory_space<hbm>> -> memref<1x1024xf32, #tpu.memory_space<hbm>>
      %dma_wait3A_392 = arith.constant 0 : i32
      %dma_wait3A_393 = arith.constant 0 : i32
      %dma_wait3A_394 = tpu.memref_slice %arg2[%dma_wait3A_392, %dma_wait3A_393] : memref<16384x1024xf32, #tpu.memory_space<hbm>> -> memref<1x1024xf32, #tpu.memory_space<hbm>>
      tpu.wait_dma2 semaphore(%arg22 : memref<!tpu.dma_semaphore, #tpu.memory_space<semaphore_mem>>) src(%dma_wait3A_394 : memref<1x1024xf32, #tpu.memory_space<hbm>>) dst(%arg10 : memref<1x1024xf32, #tpu.memory_space<vmem>>)
      %dma_wait3A_395 = arith.constant 0 : i32
      %dma_wait3A_396 = arith.constant 0 : i32
      %dma_wait3A_397 = tpu.memref_slice %arg3[%dma_wait3A_395, %dma_wait3A_396] : memref<4096x1024xf32, #tpu.memory_space<hbm>> -> memref<1x1024xf32, #tpu.memory_space<hbm>>
      %dma_wait3A_398 = arith.constant 0 : i32
      %dma_wait3A_399 = arith.constant 0 : i32
      %dma_wait3A_400 = tpu.memref_slice %arg3[%dma_wait3A_398, %dma_wait3A_399] : memref<4096x1024xf32, #tpu.memory_space<hbm>> -> memref<1x1024xf32, #tpu.memory_space<hbm>>
      tpu.wait_dma2 semaphore(%arg22 : memref<!tpu.dma_semaphore, #tpu.memory_space<semaphore_mem>>) src(%dma_wait3A_400 : memref<1x1024xf32, #tpu.memory_space<hbm>>) dst(%arg11 : memref<1x1024xf32, #tpu.memory_space<vmem>>)
      %parallel_loop3A_401 = arith.constant 0 : i32
      %parallel_loop3A_402 = arith.constant 64 : i32
      %parallel_loop3A_403 = arith.constant 1 : i32
      scf.for %parallel_loop3A_417 = %parallel_loop3A_401 to %parallel_loop3A_402 step %parallel_loop3A_403  : i32 {
        %parallel_loop3A_418 = arith.constant 4 : i32
        %parallel_loop3A_419 = arith.shli %parallel_loop3A_417, %parallel_loop3A_418 : i32
        %parallel_loop3A_420 = tpu.assume_multiple %parallel_loop3A_419, 16 : i32
        %parallel_loop3A_421 = arith.constant 7 : i32
        %parallel_loop3A_422 = arith.andi %parallel_loop3A_417, %parallel_loop3A_421 : i32
        %parallel_loop3A_423 = arith.constant 4 : i32
        %parallel_loop3A_424 = arith.shli %parallel_loop3A_422, %parallel_loop3A_423 : i32
        %parallel_loop3A_425 = tpu.assume_multiple %parallel_loop3A_424, 16 : i32
        %parallel_loop3A_426 = arith.constant 3 : i32
        %parallel_loop3A_427 = arith.shrsi %parallel_loop3A_417, %parallel_loop3A_426 : i32
        %parallel_loop3A_428 = arith.constant 7 : i32
        %parallel_loop3A_429 = arith.andi %parallel_loop3A_427, %parallel_loop3A_428 : i32
        %parallel_loop3A_430 = arith.constant 0 : i32
        %parallel_loop3A_431 = arith.index_cast %parallel_loop3A_430 : i32 to index
        %parallel_loop3A_432 = arith.index_cast %parallel_loop3A_420 : i32 to index
        %parallel_loop3A_433 = tpu.vector_load %arg10[%parallel_loop3A_431, %parallel_loop3A_432] {strides = array<i32>} : memref<1x1024xf32, #tpu.memory_space<vmem>>, vector<1x16xf32>,
        %parallel_loop3A_434 = vector.shape_cast %parallel_loop3A_433 : vector<1x16xf32> to vector<16xf32>
        %parallel_loop3A_435 = arith.constant 0 : i32
        %parallel_loop3A_436 = arith.index_cast %parallel_loop3A_435 : i32 to index
        %parallel_loop3A_437 = arith.index_cast %parallel_loop3A_420 : i32 to index
        %parallel_loop3A_438 = tpu.vector_load %arg11[%parallel_loop3A_436, %parallel_loop3A_437] {strides = array<i32>} : memref<1x1024xf32, #tpu.memory_space<vmem>>, vector<1x16xf32>,
        %parallel_loop3A_439 = vector.shape_cast %parallel_loop3A_438 : vector<1x16xf32> to vector<16xf32>
        %parallel_loop3A_440 = arith.addf %parallel_loop3A_434, %parallel_loop3A_439 : vector<16xf32>
        %parallel_loop3A_441 = arith.index_cast %parallel_loop3A_429 : i32 to index
        %parallel_loop3A_442 = arith.index_cast %parallel_loop3A_425 : i32 to index
        %parallel_loop3A_443 = tpu.vector_load %arg12[%parallel_loop3A_441, %parallel_loop3A_442] {strides = array<i32>} : memref<16x128xf32, #tpu.memory_space<vmem>>, vector<1x16xf32>,
        %parallel_loop3A_444 = vector.shape_cast %parallel_loop3A_443 : vector<1x16xf32> to vector<16xf32>
        %parallel_loop3A_445 = vector.shape_cast %parallel_loop3A_440 : vector<16xf32> to vector<1x16xf32>
        tpu.vector_store %arg12[%parallel_loop3A_441, %parallel_loop3A_442], %parallel_loop3A_445 {strides = array<i32>} : memref<16x128xf32, #tpu.memory_space<vmem>>, vector<1x16xf32>,
        %parallel_loop3A_446 = arith.constant 8 : i32
        %parallel_loop3A_447 = arith.addi %parallel_loop3A_429, %parallel_loop3A_446 : i32
        %parallel_loop3A_448 = arith.index_cast %parallel_loop3A_447 : i32 to index
        %parallel_loop3A_449 = arith.index_cast %parallel_loop3A_425 : i32 to index
        %parallel_loop3A_450 = tpu.vector_load %arg12[%parallel_loop3A_448, %parallel_loop3A_449] {strides = array<i32>} : memref<16x128xf32, #tpu.memory_space<vmem>>, vector<1x16xf32>,
        %parallel_loop3A_451 = vector.shape_cast %parallel_loop3A_450 : vector<1x16xf32> to vector<16xf32>
        %parallel_loop3A_452 = vector.shape_cast %parallel_loop3A_440 : vector<16xf32> to vector<1x16xf32>
        tpu.vector_store %arg12[%parallel_loop3A_448, %parallel_loop3A_449], %parallel_loop3A_452 {strides = array<i32>} : memref<16x128xf32, #tpu.memory_space<vmem>>, vector<1x16xf32>,
      } {sc.loop_unroll_factor = 4 : i64, sc.parallel_access}
      %and3A_404 = arith.constant 7 : i32
      %and3A_405 = vector.broadcast %and3A_404 : i32 to vector<16xi32>
      %and3A_406 = arith.andi %iota3A, %and3A_405 : vector<16xi32>
      %shift_left3A = arith.constant 2 : i32
      %shift_left3A_407 = vector.broadcast %shift_left3A : i32 to vector<16xi32>
      %shift_left3A_408 = arith.shli %and3A_406, %shift_left3A_407 : vector<16xi32>
      %add3A_409 = vector.broadcast %select_n3A : i32 to vector<16xi32>
      %add3A_410 = arith.addi %shift_left3A_408, %add3A_409 : vector<16xi32>
      %dma_start3A_411 = arith.constant 0 : i32
      %dma_start3A_412 = arith.constant 0 : i32
      %dma_start3A_413 = tpu.memref_slice %arg5[%dma_start3A_411, %dma_start3A_412] : memref<65568x128xf32, #tpu.memory_space<hbm>> -> memref<65568x128xf32, #tpu.memory_space<hbm>>
      tpu.enqueue_indirect_dma source(%arg12 : memref<16x128xf32, #tpu.memory_space<vmem>>) target(%dma_start3A_413 : memref<65568x128xf32, #tpu.memory_space<hbm>>) offsets(%add3A_410 : vector<16xi32>) semaphore(%arg22 : memref<!tpu.dma_semaphore, #tpu.memory_space<semaphore_mem>>)
      %dma_wait3A_414 = arith.constant 0 : i32
      %dma_wait3A_415 = arith.constant 0 : i32
      %dma_wait3A_416 = tpu.memref_slice %arg5[%dma_wait3A_414, %dma_wait3A_415] : memref<65568x128xf32, #tpu.memory_space<hbm>> -> memref<65568x128xf32, #tpu.memory_space<hbm>>
      tpu.wait_indirect_dma semaphore(%arg22 : memref<!tpu.dma_semaphore, #tpu.memory_space<semaphore_mem>>) src(%arg12 : memref<16x128xf32, #tpu.memory_space<vmem>>) dst(%dma_wait3A_416 : memref<65568x128xf32, #tpu.memory_space<hbm>>)
    } else {
    }
    return
  }
}

</mosaic_0001>

<sc_bundles>
// kernel: _run.3.cloned.1.call-start
scs
__scs_entry_jumppad:
0x0: {  	(pc) =	sbr.rel $0x88, $3  }
0x1: {  	(tag) =	ssettag $0x0;
	lr =	simm.s32 $0x1  }
0x2: {  	[smem:$0x3F9E] =	sst lr;
	_ =	strace $0xD0000000  }
0x3: {  	_ = 	snop  }
0x4: {  	_ = 	snop  }
0x5: {  	_ = 	snop  }
0x6: {  	_ = 	snop  }
0x7: {  	_ = 	snop  }
__scs_overlays_trampoline_lowered:
0x8: {  	[smem:$0x3FAD] =	sst s0  }
0x9: {  	[smem:$0x3FAE] =	sst s1  }
0xa: {  	[smem:$0x3FAF] =	sst s2  }
0xb: {  	[smem:$0x3FB0] =	sst s3  }
0xc: {  	[smem:$0x3FB1] =	sst s4  }
0xd: {  	[smem:$0x3FB2] =	sst s5  }
0xe: {  	[smem:$0x3FB3] =	sst s6  }
0xf: {  	[smem:$0x3FB4] =	sst s7  }
0x10: {  	[smem:$0x3FB5] =	sst s8  }
0x11: {  	[smem:$0x3FB6] =	sst s9;
	s0 =	simm.s32 @!p0 $0x0  }
0x12: {  	s1 =	sld [smem:$0x3F9C];
	s0 =	simm.s32 @p0 $0x1  }
0x13: {  	[smem:$0x3FB7] =	sst s0;
	s0 =	simm.s32 @!p1 $0x0  }
0x14: {  	s2 =	sld [smem:$0x3F9B];
	s0 =	simm.s32 @p1 $0x1  }
0x15: {  	[smem:$0x3FB8] =	sst s0;
	s0 =	simm.s32 @!p2 $0x0  }
0x16: {  	s3 =	sld [smem:$0x3FDB];
	s0 =	simm.s32 @p2 $0x1  }
0x17: {  	s4 =	simm.s32 $0x1BF5;
	[smem:$0x3FBA] =	sst s0  }
0x18: {  	s0 =	sld [smem:$0x3F9D];
	_ =	swait.ge [sflag:s4], $0x0  }
0x19: {  	s7 =	sld [smem:$0x3F9E]  }
0x1a: {  	s8 =	sadd.s32 $0xFFFFE003, lr  }
0x1b: {  	s9 =	sadd.s32 $0xFFFFFEF7, lr;
	s5 =	simm.s32 $0xFFFFFFFF;
	p2 =	slt.u32 s8, $0xFFFFF086  }
0x1c: {  	p1 =	slt.u32 s9, $0xF7A;
	s5 =	simm.s32 @!p2 $0x0  }
0x1d: {  	s5 =	simm.s32 @p1 $0x1;
	p0 =	seq.s32 s7, s2  }
0x1e: {  	s7 =	smul.u32 @!p0 $0xF7A, s2;
	p2 =	seq.s32 @!p0 s5, $0x0  }
0x1f: {  	s9 =	smul.u32 $0xF7A, s1;
	s8 =	simm.s32 @!p0 $0x1BF5;
	p2 =	por !p2, p0  }
0x20: {  	[sflag:s8] =	ssyncset.s32 @!p0 $0xFFFFF086;
	s6 =	sadd.s32 @!p0 s3, s7;
	s7 =	simm.s32 @!p0 $0x108  }
0x21: {  	s3 =	sadd.s32 s3, s9;
	s6 =	sadd.s32 @!p0 $0x88, s6;
	s7 =	simm.s32 @p2 $0x1082  }
0x22: {  	[simem:s7], [sflag:s8] =	dma.local @!p0 [hbm:s6], $0xF7A  }
0x23: {  	s9 =	sor.u32 $0xD0000000, s2;
	s6 =	simm.s32 $0x108;
	_ =	swait.ge @!p0 [sflag:s8], $0x0  }
0x24: {  	s3 =	sadd.s32 $0x88, s3;
	s6 =	simm.s32 @!p1 $0x1082;
	[sflag:s4] =	ssyncset.s32 $0xFFFFF086  }
0x25: {  	[simem:s6], [sflag:s4] =	dma.local [hbm:s3], $0xF7A  }
0x26: {  	[smem:$0x3F9E] =	sst s1;
	(tag) =	ssettag s2;
	_ =	strace s9  }
0x27: {  	s1 =	sld [smem:$0x3FAE]  }
0x28: {  	s2 =	sld [smem:$0x3FAF]  }
0x29: {  	s4 =	sld [smem:$0x3FB1]  }
0x2a: {  	p0 =	seq.s32 s5, $0x0;
	s5 =	sld [smem:$0x3FB2]  }
0x2b: {  	s6 =	sld [smem:$0x3FB3]  }
0x2c: {  	s7 =	sld [smem:$0x3FB4]  }
0x2d: {  	s3 =	simm.s32 $0x108;
	s8 =	sld [smem:$0x3FB5]  }
0x2e: {  	s3 =	simm.s32 @!p0 $0x1082;
	s9 =	sld [smem:$0x3FB6]  }
0x2f: {  	lr =	sadd.s32 s0, s3;
	s0 =	sld [smem:$0x3FAD]  }
0x30: {  	s3 =	sld [smem:$0x3FB0]  }
0x31: {  	[smem:$0x3FB9] =	sst s10  }
0x32: {  	s10 =	sld [smem:$0x3FB7];
	_ =	sdelay $0x3  }
0x33: {  	p0 =	seq.s32 s10, $0x1;
	s10 =	sld [smem:$0x3FB9];
	_ =	sdelay $0x3  }
0x34: {  	[smem:$0x3FB9] =	sst s10  }
0x35: {  	s10 =	sld [smem:$0x3FB8];
	_ =	sdelay $0x3  }
0x36: {  	p1 =	seq.s32 s10, $0x1;
	s10 =	sld [smem:$0x3FB9];
	_ =	sdelay $0x3  }
0x37: {  	[smem:$0x3FB9] =	sst s10  }
0x38: {  	s10 =	sld [smem:$0x3FBA]  }
0x39: {  	_ = 	snop;
	(pc) =	sbr.ind lr, $3  }
0x3a: {  	_ = 	snop  }
0x3b: {  	_ = 	snop  }
0x3c: {  	p2 =	seq.s32 s10, $0x1;
	s10 =	sld [smem:$0x3FB9]  }
0x3d: {  	_ =	shalt  }
0x3e: {  	_ =	shalt  }
0x3f: {  	_ =	shalt  }
0x40: {  	_ =	shalt  }
0x41: {  	_ =	shalt  }
0x42: {  	_ =	shalt  }
0x43: {  	_ =	shalt  }
0x44: {  	_ =	shalt  }
0x45: {  	_ =	shalt  }
0x46: {  	_ =	shalt  }
0x47: {  	_ =	shalt  }
0x48: {  	_ =	shalt  }
0x49: {  	_ =	shalt  }
0x4a: {  	_ =	shalt  }
0x4b: {  	_ =	shalt  }
0x4c: {  	_ =	shalt  }
0x4d: {  	_ =	shalt  }
0x4e: {  	_ =	shalt  }
0x4f: {  	_ =	shalt  }
0x50: {  	_ =	shalt  }
0x51: {  	_ =	shalt  }
0x52: {  	_ =	shalt  }
0x53: {  	_ =	shalt  }
0x54: {  	_ =	shalt  }
0x55: {  	_ =	shalt  }
0x56: {  	_ =	shalt  }
0x57: {  	_ =	shalt  }
0x58: {  	_ =	shalt  }
0x59: {  	_ =	shalt  }
0x5a: {  	_ =	shalt  }
0x5b: {  	_ =	shalt  }
0x5c: {  	_ =	shalt  }
0x5d: {  	_ =	shalt  }
0x5e: {  	_ =	shalt  }
0x5f: {  	_ =	shalt  }
0x60: {  	_ =	shalt  }
0x61: {  	_ =	shalt  }
0x62: {  	_ =	shalt  }
0x63: {  	_ =	shalt  }
0x64: {  	_ =	shalt  }
0x65: {  	_ =	shalt  }
0x66: {  	_ =	shalt  }
0x67: {  	_ =	shalt  }
0x68: {  	_ =	shalt  }
0x69: {  	_ =	shalt  }
0x6a: {  	_ =	shalt  }
0x6b: {  	_ =	shalt  }
0x6c: {  	_ =	shalt  }
0x6d: {  	_ =	shalt  }
0x6e: {  	_ =	shalt  }
0x6f: {  	_ =	shalt  }
0x70: {  	_ =	shalt  }
0x71: {  	_ =	shalt  }
0x72: {  	_ =	shalt  }
0x73: {  	_ =	shalt  }
0x74: {  	_ =	shalt  }
0x75: {  	_ =	shalt  }
0x76: {  	_ =	shalt  }
0x77: {  	_ =	shalt  }
0x78: {  	_ =	shalt  }
0x79: {  	_ =	shalt  }
0x7a: {  	_ =	shalt  }
0x7b: {  	_ =	shalt  }
0x7c: {  	_ =	shalt  }
0x7d: {  	_ =	shalt  }
0x7e: {  	_ =	shalt  }
0x7f: {  	_ =	shalt  }
0x80: {  	_ =	shalt  }
0x81: {  	_ =	shalt  }
0x82: {  	_ =	shalt  }
0x83: {  	_ =	shalt  }
0x84: {  	_ =	shalt  }
0x85: {  	_ =	shalt  }
0x86: {  	_ =	shalt  }
0x87: {  	_ =	shalt  }
.Lfunc_end0:
.L_simem_size_0:
called_computation_lowered:
.L_overlay_start_0:
0x88: {  	s2 =	sld [smem:$0x3FD9]  }
0x89: {  	s3 =	sld [smem:$0x3FFE];
	_ =	sdelay $0x1  }
0x8a: {  	s1 =	srdreg.scid  }
0x8b: {  	s0 =	sand.u32 $0x1, s1  }
0x8c: {  	s18 =	sshll.u32 s0, $0xA;
	s2 =	sadd.s32 s3, s2  }
0x8d: {  	s2 =	sadd.s32 s2, s18  }
0x8e: {  	[smem:$0x3FC5] =	sst s2  }
0x8f: {  	_ = 	snop  }
0x90: {  	s2 =	sld [smem:$0x3FC9]  }
0x91: {  	s19 =	sld [smem:$0x3FC8]  }
0x92: {  	s4 =	sld [smem:$0x3FC7]  }
0x93: {  	s5 =	sld [smem:$0x3FD0];
	(tm) =	ssettm $0x1  }
0x94: {  	s6 =	sld [smem:$0x3FFB];
	_ =	sdelay $0x3  }
0x95: {  	_ =	strace s6  }
0x96: {  	s6 =	sld [smem:$0x3FFC];
	_ =	sdelay $0x3  }
0x97: {  	_ =	strace s6  }
0x98: {  	s6 =	sld [smem:$0x3FFD];
	_ =	sdelay $0x3  }
0x99: {  	_ =	strace s6  }
0x9a: {  	_ =	strace $0x8FFFFFFF  }
0x9b: {  	s20 =	sld [smem:$0x3FDB];
	_ =	sdelay $0x1  }
0x9c: {  	s7 =	simm.s32 $_scs_section_size  }
0x9d: {  	s8 =	simm.s32 $_size__tile_overlayer_lowered;
	s9 =	simm.s32 $_tile_overlayer_lowered  }
0x9e: {  	s23 =	simm.s32 $0x1BFF;
	s22 =	sshll.u32 s9, $0x1;
	s6 =	sadd.s32 s7, s20  }
0x9f: {  	s10 =	simm.s32 $0x0;
	s21 =	sshll.u32 s8, $0x1;
	s8 =	sadd.s32 s22, s6  }
0xa0: {  	[timem:s10], [sflag:s23] =	dma.local [hbm:s8], s21  }
0xa1: {  	_ =	swait.ge [sflag:s23], s21  }
0xa2: {  	s7 =	ssub.s32 $0x0, s21;
	[sflag:s23] =	ssyncset.done $0x0  }
0xa3: {  	[sflag:s23] =	ssyncadd.s32 s7;
	_ =	sdelay $0x1  }
0xa4: {  	s24 =	simm.s32 $0x1B8B  }
0xa5: {  	_ =	swait.ge [sflag:s24], $0x1  }
0xa6: {  	[sflag:s24] =	ssyncset.done $0x0  }
0xa7: {  	s25 =	simm.s32 $0x1B8E;
	[sflag:s24] =	ssyncadd.s32 $0xFFFFFFFF  }
0xa8: {  	s26 =	simm.s32 $execute0_lowered;
	[smem:$0x3FD2] =	sst s25  }
0xa9: {  	s7 =	sshll.u32 s26, $0x1;
	_ =	strace $0x80000046;
	[dreg:$0x1] =	wrdreg $0xFFFFFFFF  }
0xaa: {  	s28 =	simm.s32 $_size_execute0_lowered;
	s6 =	sadd.s32 s6, s7;
	[dreg:$0x0] =	wrdreg $0x0  }
0xab: {  	s7 =	sshll.u32 s28, $0x1;
	[dreg:$0x2] =	wrdreg s6  }
0xac: {  	[dreg:$0x3] =	wrdreg s7  }
0xad: {  	[dreg:$0x4] =	wrdreg $0xC0  }
0xae: {  	_ =	task [dreg:s10], $0x5FFFF  }
0xaf: {  	[dreg:$0x1] =	wrdreg $0xFFFFFFFF  }
0xb0: {  	[dreg:$0x0] =	wrdreg $0x60  }
0xb1: {  	[dreg:$0x2] =	wrdreg s2  }
0xb2: {  	[dreg:$0x3] =	wrdreg s19  }
0xb3: {  	[dreg:$0x4] =	wrdreg s4  }
0xb4: {  	[dreg:$0x5] =	wrdreg s5  }
0xb5: {  	[dreg:$0x6] =	wrdreg $0x9  }
0xb6: {  	_ =	task.clear_ibuf [dreg:s10], $0x7FFFF;
	_ =	strace $0x90000046  }
0xb7: {  	s29 =	simm.s32 $0x9;
	_ =	strace $0x80000048  }
0xb8: {  	_ =	swait.ge [sflag:s29], $0x1  }
0xb9: {  	[sflag:s29] =	ssyncadd.s32 $0xFFFFFFFF  }
0xba: {  	_ =	strace $0x90000048  }
0xbb: {  	_ =	sfence  }
0xbc: {  	s30 =	sld [smem:$0x0];
	_ =	sdelay $0x2  }
0xbd: {  	s31 =	sshll.u32 s1, $0xD;
	s1 =	sshrl.u32 s1, $0x2  }
0xbe: {  	s3 =	sand.u32 $0x4000, s31;
	s1 =	sadd.s32 s1, s30  }
0xbf: {  	s0 =	sor.u32 s3, s0;
	s1 =	sshll.u32 s1, $0x11  }
0xc0: {  	s0 =	sor.u32 s1, s0  }
0xc1: {  	s0 =	sadd.s32 $0x8F2B, s0  }
0xc2: {  	[sflag:s0] =	ssyncadd.remote.s32 $0x1  }
0xc3: {  	_ =	sfence.sel $0xFFFF  }
0xc4: {  	[dreg:$0x0] =	wrdreg $0xFFFFFFFF;
	(pc) =	sbr.abs _section_cstart, $3  }
0xc5: {  	[dreg:$0x1] =	wrdreg $0xFFFFFFFF  }
0xc6: {  	_ =	task.clear_ibuf [dreg:s10], $0x2FFFF;
	_ =	strace $0x9FFFFFFF  }
0xc7: {  	(tm) =	ssettm $0x7FFFFFFF  }
tec
execute0_lowered:
.L_overlay_start_1:
0x0: {  	(tag) =	ssettag $0x1  }
0x1: {  	s1 =	rddreg [dreg:$0x0]  }
0x2: {  	s2 =	rddreg [dreg:$0x1]  }
0x3: {  	s0 =	rddreg [dreg:$0x2]  }
0x4: {  	s4 =	rddreg [dreg:$0x3]  }
0x5: {  	s5 =	simm.s32 $0x0;
	s3 =	srdreg.scid;
	s6 =	stileid.u32  }
0x6: {  	s17 =	simm.s32 $0x80;
	s16 =	simm.s32 $0x4;
	s19 =	simm.s32 $0x0  }
0x7: {  	[smem:$0x7FF] =	sst s5;
	s3 =	sand.u32 $0x1, s3;
	s22 =	sshll.u32 s6, $0x1  }
0x8: {  	s18 =	sshrl.u32 s6, $0x2;
	s10 =	sadd.s32 $0x200, s1;
	s11 =	sadd.s32 $0x300, s1  }
0x9: {  	s12 =	sadd.s32 $0x100, s2;
	s13 =	sadd.s32 $0x200, s2;
	s14 =	sadd.s32 $0x300, s2  }
0xa: {  	s6 =	simm.s32 $0x16900;
	_ =	strace $0x80000047;
	s5 =	sor.u32 s3, s22  }
0xb: {  	v0 =	vlaneseq.u32;
	s3 =	ssub.s32 $0x2, s3;
	s9 =	sshll.u32 s18, $0x4;
	s25 =	sand.u32 $0x1, s18  }
0xc: {  	v1 =	vand.u32 $0x7, v0;
	s26 =	sshll.u32 s18, $0x13;
	s29 =	sshll.u32 s18, $0xB;
	s30 =	sshll.u32 s18, $0xC  }
0xd: {  	v3 =	vmul.u32 $0x4, v1;
	s23 =	sand.u32 $0x7, s5;
	s7 =	sshrl.u32 s3, $0x1;
	s5 =	sshll.u32 s5, $0x8  }
0xe: {  	s28 =	sadd.s32 s1, s26;
	v2 =	vmov s30;
	s8 =	sshll.u32 s23, $0x7;
	s3 =	ssub.s32 s3, s7  }
0xf: {  	[dreg:$0x6] =	wrdreg s28;
	p0 =	sne.s32 s23, s25;
	v4 =	vor.u32 $0x1, v2;
	v2 =	vor.u32 s18, v3;
	s18 =	simm.s32 $0x6  }
.Ltmp0:
0x10: {  	s24 =	sor.u32 s9, s8;
	s31 =	smax.u32 s3, $0x1;
	(pc) =	sbr.rel .LBB2_1-.Ltmp0, $4  }
0x11: {  	s9 =	sadd.s32 $0x100, s1;
	s0 =	sadd.s32 s0, s24;
	[dreg:$0x8] =	wrdreg s31  }
0x12: {  	s3 =	simm.s32 $0x3;
	[dreg:$0x5] =	wrdreg s0;
	s0 =	sadd.s32 $0x40, s0  }
0x13: {  	s8 =	simm.s32 $0x2;
	v3 =	vbroadcast v4, $0x0;
	v4 =	vshrl.u32 v0, $0x3;
	[dreg:$0x7] =	wrdreg s0;
	s0 =	ssub.s32 s5, s29  }
0x14: {  	vm0 =	vmmov $0xffff;
	v5 =	vor.u32 $0x8, v0;
	v4 =	vmul.u32 $0x8, v4;
	s5 =	simm.s32 $0x5;
	s15 =	sor.u32 $0x1, s0;
	s0 =	simm.s32 $0x1  }
.LBB2_23:
0x15: {  	s19 =	sadd.s32 $0x1, s19;
	s7 =	rddreg [dreg:$0x8]  }
0x16: {  	p1 =	sne.s32 s19, s7  }
.Ltmp1:
0x17: {  	_ = 	snop;
	(pc) =	sbr.rel @!p1 .LBB2_24-.Ltmp1, $1  }
0x18: {  	_ =	sdelay $0x3  }
.LBB2_1:
0x19: {  	[dreg:$0x9] =	wrdreg s19;
	s19 =	simm.s32 @!p0 $0x80  }
0x1a: {  	s20 =	simm.s32 @!p0 $0x400;
	s21 =	simm.s32 @!p0 $0x1900;
	s7 =	rddreg [dreg:$0x6]  }
0x1b: {  	[tilespmem:s21], [sflag:$0x7] =	stream.strided.gather @!p0 [hbm4b:s7+s19], $0x400, s20, s19, $0x38;
	[tilespmem:$0x1A900] =	vst v63  }
0x1c: {  	s21 =	simm.s32 @!p0 $0x1D00  }
0x1d: {  	[tilespmem:s21], [sflag:$0x7] =	stream.strided.gather @!p0 [hbm4b:s2+s19], $0x400, s20, s19, $0x38;
	[tilespmem:$0x1A900] =	vst v63  }
0x1e: {  	s26 =	simm.s32 $0x0;
	s28 =	rddreg [dreg:$0x5]  }
0x1f: {  	[tilespmem:s26], [sflag:$0x8] =	stream.linear.gather [hbm4b:s28+s26], $0x80, $0x38;
	[tilespmem:$0x1A900] =	vst v63  }
0x20: {  	s29 =	rddreg [dreg:$0x7];
	s30 =	simm.s32 $0x8  }
0x21: {  	[tilespmem:s17], [sflag:$0x8] =	stream.linear.gather [hbm4b:s29+s26], $0x80, $0x38;
	[tilespmem:$0x1A900] =	vst v63  }
0x22: {  	_ =	swait.ge [sflag:s30], $0x80  }
0x23: {  	[sflag:s30] =	ssyncset.done $0x0  }
0x24: {  	[sflag:s30] =	ssyncadd.s32 $0xFFFFFF80  }
0x25: {  	_ =	swait.ge [sflag:s30], $0x80  }
0x26: {  	[sflag:s30] =	ssyncset.done $0x0  }
0x27: {  	s31 =	simm.s32 $0x10;
	[sflag:s30] =	ssyncadd.s32 $0xFFFFFF80  }
0x28: {  	v9 =	vld [tilespmem:s31+$0xFFFFFFF0]  }
0x29: {  	v7 =	vld [tilespmem:s31+$0x0];
	_ =	sdelay $0x3  }
0x2a: {  	s19 =	simm.s32 $0x180;
	s20 =	simm.s32 $0x30;
	v8 =	vadd.s32 $0x1, v9  }
0x2b: {  	v6 =	vld [tilespmem:s20+$0xFFFFFFF0];
	v10 =	vadd.s32 $0x1, v7;
	[tilespmem:s19+$0xFFFFFF80] =	vst v8  }
0x2c: {  	s23 =	simm.s32 $0x2;
	s22 =	simm.s32 $0x980;
	s21 =	simm.s32 $0x980;
	v9 =	vadd.s32 v3, v9;
	v8 =	vadd.s32 v3, v7;
	v7 =	vld [tilespmem:s20+$0x0];
	[tilespmem:s19+$0x0] =	vst v10  }
.LBB2_2:
0x2d: {  	s23 =	sadd.s32 $0x2, s23  }
0x2e: {  	[tilespmem:s21+$0xFFFFFF80] =	vst v9;
	s19 =	sadd.s32 $0x100, s19;
	s22 =	sadd.s32 $0x100, s22;
	p1 =	slt.u32 s23, $0xE  }
.Ltmp2:
0x2f: {  	[tilespmem:s21+$0x0] =	vst v8;
	s21 =	smov.u32 s22;
	(pc) =	sbr.rel @p1 .LBB2_2-.Ltmp2, $4  }
0x30: {  	_ = 	snop  }
0x31: {  	s20 =	sadd.s32 $0x20, s20;
	v8 =	vadd.s32 $0x1, v6;
	v9 =	vmov v6  }
0x32: {  	v6 =	vld [tilespmem:s20+$0xFFFFFFF0];
	[tilespmem:s19+$0xFFFFFF80] =	vst v8;
	v10 =	vadd.s32 $0x1, v7;
	v8 =	vadd.s32 v3, v7  }
0x33: {  	v9 =	vadd.s32 v3, v9;
	v7 =	vld [tilespmem:s20+$0x0];
	[tilespmem:s19+$0x0] =	vst v10  }
0x34: {  	_ =	sdelay $0x1  }
0x35: {  	[tilespmem:s21+$0xFFFFFF80] =	vst v9  }
0x36: {  	s19 =	sadd.s32 $0x100, s19;
	[tilespmem:s21+$0x0] =	vst v8;
	v8 =	vadd.s32 $0x1, v6  }
0x37: {  	[tilespmem:s19+$0xFFFFFF80] =	vst v8;
	v8 =	vadd.s32 $0x1, v7  }
0x38: {  	s20 =	sadd.s32 $0x100, s22;
	v6 =	vadd.s32 v3, v6;
	[tilespmem:s19+$0x0] =	vst v8  }
0x39: {  	v7 =	vadd.s32 v3, v7;
	[tilespmem:s20+$0xFFFFFF80] =	vst v6  }
0x3a: {  	[tilespmem:s20+$0x0] =	vst v7  }
0x3b: {  	v6 =	vld [tilespmem:$0x900];
	_ =	sdelay $0x4  }
0x3c: {  	v7 =	vshll.u32 v6, $0x3  }
0x3d: {  	v6 =	vand.u32 $0x7, v6;
	v7 =	vand.u32 $0xFFFFFFC0, v7  }
0x3e: {  	v6 =	vor.u32 v6, v7  }
0x3f: {  	v7 =	vperm.xlane v6, v1;
	_ =	sdelay $0x1  }
0x40: {  	v7 =	vadd.s32 v4, v7;
	_ =	sdelay $0x3  }
0x41: {  	s7 =	simm.s32 $0x2900;
	s19 =	simm.s32 $0x0  }
0x42: {  	[tilespmem:s7], [sflag:$0x1] =	stream.indirect_vreg.gather [hbm4b:s1+s19], $0x80, v7, vm0, $0xb8;
	[tilespmem:$0x1A900] =	vst v63  }
0x43: {  	s21 =	simm.s32 $0x3100;
	v6 =	vperm.xlane v6, v5  }
0x44: {  	[tilespmem:s21], [sflag:$0x1] =	stream.indirect_vreg.gather [hbm4b:s9+s19], $0x80, v7, vm0, $0xb8;
	[tilespmem:$0x1A900] =	vst v63  }
0x45: {  	s22 =	simm.s32 $0x3900;
	v6 =	vadd.s32 v4, v6  }
0x46: {  	[tilespmem:s22], [sflag:$0x1] =	stream.indirect_vreg.gather [hbm4b:s10+s19], $0x80, v7, vm0, $0xb8;
	[tilespmem:$0x1A900] =	vst v63  }
0x47: {  	s23 =	simm.s32 $0x4100  }
0x48: {  	[tilespmem:s23], [sflag:$0x1] =	stream.indirect_vreg.gather [hbm4b:s11+s19], $0x80, v7, vm0, $0xb8;
	[tilespmem:$0x1A900] =	vst v63  }
0x49: {  	s24 =	simm.s32 $0x4900  }
0x4a: {  	[tilespmem:s24], [sflag:$0x1] =	stream.indirect_vreg.gather [hbm4b:s1+s19], $0x80, v6, vm0, $0xb8;
	[tilespmem:$0x1A900] =	vst v63  }
0x4b: {  	s25 =	simm.s32 $0x5100  }
0x4c: {  	[tilespmem:s25], [sflag:$0x1] =	stream.indirect_vreg.gather [hbm4b:s9+s19], $0x80, v6, vm0, $0xb8;
	[tilespmem:$0x1A900] =	vst v63  }
0x4d: {  	s26 =	simm.s32 $0x5900  }
0x4e: {  	[tilespmem:s26], [sflag:$0x1] =	stream.indirect_vreg.gather [hbm4b:s10+s19], $0x80, v6, vm0, $0xb8;
	[tilespmem:$0x1A900] =	vst v63  }
0x4f: {  	s28 =	simm.s32 $0x6100  }
0x50: {  	[tilespmem:s28], [sflag:$0x1] =	stream.indirect_vreg.gather [hbm4b:s11+s19], $0x80, v6, vm0, $0xb8;
	[tilespmem:$0x1A900] =	vst v63  }
0x51: {  	v6 =	vld [tilespmem:$0x100];
	_ =	sdelay $0x4  }
0x52: {  	v7 =	vshll.u32 v6, $0x3  }
0x53: {  	v6 =	vand.u32 $0x7, v6;
	v7 =	vand.u32 $0xFFFFFFC0, v7  }
0x54: {  	v6 =	vor.u32 v6, v7  }
0x55: {  	v7 =	vperm.xlane v6, v1;
	_ =	sdelay $0x1  }
0x56: {  	v7 =	vadd.s32 v4, v7;
	_ =	sdelay $0x3  }
0x57: {  	s29 =	simm.s32 $0xA900  }
0x58: {  	[tilespmem:s29], [sflag:$0x3] =	stream.indirect_vreg.gather [hbm4b:s2+s19], $0x80, v7, vm0, $0xb8;
	[tilespmem:$0x1A900] =	vst v63  }
0x59: {  	s30 =	simm.s32 $0xB100;
	v6 =	vperm.xlane v6, v5  }
0x5a: {  	[tilespmem:s30], [sflag:$0x3] =	stream.indirect_vreg.gather [hbm4b:s12+s19], $0x80, v7, vm0, $0xb8;
	[tilespmem:$0x1A900] =	vst v63  }
0x5b: {  	s31 =	simm.s32 $0xB900;
	v6 =	vadd.s32 v4, v6  }
0x5c: {  	[tilespmem:s31], [sflag:$0x3] =	stream.indirect_vreg.gather [hbm4b:s13+s19], $0x80, v7, vm0, $0xb8;
	[tilespmem:$0x1A900] =	vst v63  }
0x5d: {  	s20 =	simm.s32 $0xC100  }
0x5e: {  	[tilespmem:s20], [sflag:$0x3] =	stream.indirect_vreg.gather [hbm4b:s14+s19], $0x80, v7, vm0, $0xb8;
	[tilespmem:$0x1A900] =	vst v63  }
0x5f: {  	s21 =	simm.s32 $0xC900  }
0x60: {  	[tilespmem:s21], [sflag:$0x3] =	stream.indirect_vreg.gather [hbm4b:s2+s19], $0x80, v6, vm0, $0xb8;
	[tilespmem:$0x1A900] =	vst v63  }
0x61: {  	s22 =	simm.s32 $0xD100  }
0x62: {  	[tilespmem:s22], [sflag:$0x3] =	stream.indirect_vreg.gather [hbm4b:s12+s19], $0x80, v6, vm0, $0xb8;
	[tilespmem:$0x1A900] =	vst v63  }
0x63: {  	s23 =	simm.s32 $0xD900;
	s25 =	simm.s32 $0x0;
	s26 =	sand.u32 $0x60, s19  }
0x64: {  	[tilespmem:s23], [sflag:$0x3] =	stream.indirect_vreg.gather [hbm4b:s13+s19], $0x80, v6, vm0, $0xb8;
	[tilespmem:$0x1A900] =	vst v63  }
0x65: {  	s24 =	simm.s32 $0xE100;
	s28 =	sand.u32 $0xFFFFFFF0, s25;
	s29 =	sor.u32 $0x10, s26  }
0x66: {  	[tilespmem:s24], [sflag:$0x3] =	stream.indirect_vreg.gather [hbm4b:s14+s19], $0x80, v6, vm0, $0xb8;
	v6 =	vor.u32 s26, v0;
	[tilespmem:$0x1A900] =	vst v63  }
0x67: {  	s30 =	simm.s32 $0x0;
	v7 =	vor.u32 s29, v0;
	s23 =	sadd.s32 s15, s28;
	v6 =	vshrl.u32 v6, $0x3  }
0x68: {  	s31 =	simm.s32 $0x4;
	v7 =	vshrl.u32 v7, $0x3;
	s24 =	sand.u32 $0x3FFFFF80, s30;
	v6 =	vadd.s32 s23, v6  }
0x69: {  	s25 =	simm.s32 $0x20;
	s20 =	sand.u32 $0xFFFFFFF0, s31;
	v7 =	vadd.s32 s23, v7;
	s24 =	sadd.s32 $0x1100, s24;
	v6 =	vshll.u32 v6, $0x5  }
0x6a: {  	s19 =	simm.s32 $0x2;
	v7 =	vshll.u32 v7, $0x5;
	s21 =	sor.u32 s26, s24;
	s23 =	simm.s32 $0x20;
	v6 =	vor.u32 v2, v6  }
0x6b: {  	s24 =	sor.u32 s29, s24;
	s22 =	sand.u32 $0x60, s23;
	[tilespmem:s21+$0x0] =	vst v6;
	s21 =	sand.u32 $0x3FFFFF80, s25;
	v6 =	vor.u32 v2, v7  }
.LBB2_4:
0x6c: {  	s19 =	sadd.s32 $0x2, s19  }
0x6d: {  	v7 =	vor.u32 s22, v0;
	s25 =	sor.u32 $0x10, s22;
	[tilespmem:s24+$0x0] =	vst v6;
	p1 =	slt.u32 s19, $0x7E  }
.Ltmp3:
0x6e: {  	s26 =	sadd.s32 s15, s20;
	s24 =	sshll.u32 s19, $0x1;
	v6 =	vshrl.u32 v7, $0x3;
	v7 =	vor.u32 s25, v0;
	(pc) =	sbr.rel @p1 .LBB2_4-.Ltmp3, $4  }
0x6f: {  	s20 =	sand.u32 $0xFFFFFFF0, s24;
	s24 =	sshll.u32 s19, $0x4;
	v6 =	vadd.s32 s26, v6;
	v7 =	vshrl.u32 v7, $0x3  }
0x70: {  	s28 =	sadd.s32 $0x1100, s21;
	v6 =	vshll.u32 v6, $0x5;
	s21 =	sand.u32 $0x3FFFFF80, s24;
	v7 =	vadd.s32 s26, v7  }
0x71: {  	s23 =	sadd.s32 $0x20, s23;
	s24 =	sor.u32 s22, s28;
	v6 =	vor.u32 v2, v6;
	v7 =	vshll.u32 v7, $0x5  }
0x72: {  	s22 =	sand.u32 $0x60, s23;
	[tilespmem:s24+$0x0] =	vst v6;
	v6 =	vor.u32 v2, v7;
	s24 =	sor.u32 s25, s28  }
0x73: {  	v7 =	vor.u32 s22, v0;
	s19 =	sor.u32 $0x10, s22  }
0x74: {  	s20 =	sadd.s32 s15, s20;
	v7 =	vshrl.u32 v7, $0x3;
	v8 =	vor.u32 s19, v0  }
0x75: {  	v7 =	vadd.s32 s20, v7;
	v8 =	vshrl.u32 v8, $0x3  }
0x76: {  	s21 =	sadd.s32 $0x1100, s21;
	v7 =	vshll.u32 v7, $0x5;
	v8 =	vadd.s32 s20, v8  }
0x77: {  	[tilespmem:s24+$0x0] =	vst v6;
	s7 =	sor.u32 s22, s21;
	v6 =	vor.u32 v2, v7;
	v7 =	vshll.u32 v8, $0x5  }
0x78: {  	s19 =	sor.u32 s19, s21;
	[tilespmem:s7+$0x0] =	vst v6;
	v6 =	vor.u32 v2, v7  }
0x79: {  	[tilespmem:s19+$0x0] =	vst v6  }
0x7a: {  	v6 =	vld [tilespmem:$0x980];
	_ =	sdelay $0x4  }
0x7b: {  	v7 =	vshll.u32 v6, $0x3  }
0x7c: {  	v6 =	vand.u32 $0x7, v6;
	v7 =	vand.u32 $0xFFFFFFC0, v7  }
0x7d: {  	v6 =	vor.u32 v6, v7  }
0x7e: {  	v7 =	vperm.xlane v6, v1;
	_ =	sdelay $0x1  }
0x7f: {  	v7 =	vadd.s32 v4, v7;
	_ =	sdelay $0x3  }
0x80: {  	s7 =	simm.s32 $0x6900;
	s19 =	simm.s32 $0x0  }
0x81: {  	[tilespmem:s7], [sflag:$0x2] =	stream.indirect_vreg.gather [hbm4b:s1+s19], $0x80, v7, vm0, $0xb8;
	[tilespmem:$0x1A900] =	vst v63  }
0x82: {  	s21 =	simm.s32 $0x7100;
	v6 =	vperm.xlane v6, v5  }
0x83: {  	[tilespmem:s21], [sflag:$0x2] =	stream.indirect_vreg.gather [hbm4b:s9+s19], $0x80, v7, vm0, $0xb8;
	[tilespmem:$0x1A900] =	vst v63  }
0x84: {  	s22 =	simm.s32 $0x7900;
	v6 =	vadd.s32 v4, v6  }
0x85: {  	[tilespmem:s22], [sflag:$0x2] =	stream.indirect_vreg.gather [hbm4b:s10+s19], $0x80, v7, vm0, $0xb8;
	[tilespmem:$0x1A900] =	vst v63  }
0x86: {  	s23 =	simm.s32 $0x8100  }
0x87: {  	[tilespmem:s23], [sflag:$0x2] =	stream.indirect_vreg.gather [hbm4b:s11+s19], $0x80, v7, vm0, $0xb8;
	[tilespmem:$0x1A900] =	vst v63  }
0x88: {  	s24 =	simm.s32 $0x8900  }
0x89: {  	[tilespmem:s24], [sflag:$0x2] =	stream.indirect_vreg.gather [hbm4b:s1+s19], $0x80, v6, vm0, $0xb8;
	[tilespmem:$0x1A900] =	vst v63  }
0x8a: {  	s25 =	simm.s32 $0x9100  }
0x8b: {  	[tilespmem:s25], [sflag:$0x2] =	stream.indirect_vreg.gather [hbm4b:s9+s19], $0x80, v6, vm0, $0xb8;
	[tilespmem:$0x1A900] =	vst v63  }
0x8c: {  	s26 =	simm.s32 $0x9900  }
0x8d: {  	[tilespmem:s26], [sflag:$0x2] =	stream.indirect_vreg.gather [hbm4b:s10+s19], $0x80, v6, vm0, $0xb8;
	[tilespmem:$0x1A900] =	vst v63  }
0x8e: {  	s28 =	simm.s32 $0xA100  }
0x8f: {  	[tilespmem:s28], [sflag:$0x2] =	stream.indirect_vreg.gather [hbm4b:s11+s19], $0x80, v6, vm0, $0xb8;
	[tilespmem:$0x1A900] =	vst v63  }
0x90: {  	v6 =	vld [tilespmem:$0x180];
	_ =	sdelay $0x4  }
0x91: {  	v7 =	vshll.u32 v6, $0x3  }
0x92: {  	v6 =	vand.u32 $0x7, v6;
	v7 =	vand.u32 $0xFFFFFFC0, v7  }
0x93: {  	v6 =	vor.u32 v6, v7  }
0x94: {  	v7 =	vperm.xlane v6, v1;
	_ =	sdelay $0x1  }
0x95: {  	v7 =	vadd.s32 v4, v7;
	_ =	sdelay $0x3  }
0x96: {  	s29 =	simm.s32 $0xE900  }
0x97: {  	[tilespmem:s29], [sflag:$0x4] =	stream.indirect_vreg.gather [hbm4b:s2+s19], $0x80, v7, vm0, $0xb8;
	[tilespmem:$0x1A900] =	vst v63  }
0x98: {  	s30 =	simm.s32 $0xF100;
	v6 =	vperm.xlane v6, v5  }
0x99: {  	[tilespmem:s30], [sflag:$0x4] =	stream.indirect_vreg.gather [hbm4b:s12+s19], $0x80, v7, vm0, $0xb8;
	[tilespmem:$0x1A900] =	vst v63  }
0x9a: {  	s31 =	simm.s32 $0xF900;
	v6 =	vadd.s32 v4, v6  }
0x9b: {  	[tilespmem:s31], [sflag:$0x4] =	stream.indirect_vreg.gather [hbm4b:s13+s19], $0x80, v7, vm0, $0xb8;
	[tilespmem:$0x1A900] =	vst v63  }
0x9c: {  	s20 =	simm.s32 $0x10100  }
0x9d: {  	[tilespmem:s20], [sflag:$0x4] =	stream.indirect_vreg.gather [hbm4b:s14+s19], $0x80, v7, vm0, $0xb8;
	[tilespmem:$0x1A900] =	vst v63  }
0x9e: {  	s21 =	simm.s32 $0x10900  }
0x9f: {  	[tilespmem:s21], [sflag:$0x4] =	stream.indirect_vreg.gather [hbm4b:s2+s19], $0x80, v6, vm0, $0xb8;
	[tilespmem:$0x1A900] =	vst v63  }
0xa0: {  	s22 =	simm.s32 $0x11100  }
0xa1: {  	[tilespmem:s22], [sflag:$0x4] =	stream.indirect_vreg.gather [hbm4b:s12+s19], $0x80, v6, vm0, $0xb8;
	[tilespmem:$0x1A900] =	vst v63  }
0xa2: {  	s23 =	simm.s32 $0x11900  }
0xa3: {  	[tilespmem:s23], [sflag:$0x4] =	stream.indirect_vreg.gather [hbm4b:s13+s19], $0x80, v6, vm0, $0xb8;
	[tilespmem:$0x1A900] =	vst v63  }
0xa4: {  	s24 =	simm.s32 $0x12100  }
0xa5: {  	[tilespmem:s24], [sflag:$0x4] =	stream.indirect_vreg.gather [hbm4b:s14+s19], $0x80, v6, vm0, $0xb8;
	[tilespmem:$0x1A900] =	vst v63  }
0xa6: {  	_ =	swait.ge [sflag:s0], $0x4000  }
0xa7: {  	s25 =	simm.s32 $0x0;
	[sflag:s0] =	ssyncset.done $0x0  }
0xa8: {  	s26 =	sand.u32 $0x2000, s25;
	[sflag:s0] =	ssyncadd.s32 $0xFFFFC000  }
0xa9: {  	s28 =	sand.u32 $0x1C00, s19;
	s23 =	simm.s32 $0x0;
	_ =	swait.ge [sflag:s3], $0x4000  }
0xaa: {  	s20 =	sor.u32 s28, s26;
	s29 =	sand.u32 $0x380, s23;
	[sflag:s3] =	ssyncset.done $0x0  }
0xab: {  	s20 =	sor.u32 s29, s20;
	[sflag:s3] =	ssyncadd.s32 $0xFFFFC000  }
0xac: {  	v7 =	vld [tilespmem:s20+$0x2970]  }
0xad: {  	v8 =	vld [tilespmem:s20+$0xA970]  }
0xae: {  	v9 =	vld [tilespmem:s20+$0x2900]  }
0xaf: {  	v11 =	vld [tilespmem:s20+$0xA900]  }
0xb0: {  	v12 =	vld [tilespmem:s20+$0x2910]  }
0xb1: {  	v13 =	vld [tilespmem:s20+$0xA910]  }
0xb2: {  	s30 =	sand.u32 $0x380, s19;
	s21 =	sand.u32 $0x3FFFFC00, s25;
	v6 =	vld [tilespmem:s20+$0x2920]  }
0xb3: {  	s31 =	sor.u32 s30, s21;
	v10 =	vld [tilespmem:s20+$0xA920];
	v8 =	vadd.f32 v8, v7  }
0xb4: {  	s21 =	sadd.s32 $0x12900, s31;
	v11 =	vadd.f32 v11, v9;
	v7 =	vld [tilespmem:s20+$0x2930]  }
0xb5: {  	v9 =	vld [tilespmem:s20+$0xA930];
	[tilespmem:s21+$0x70] =	vst v8  }
0xb6: {  	s22 =	simm.s32 $0x0;
	s23 =	simm.s32 $0x0;
	[tilespmem:s31+$0x12900] =	vst v11;
	v11 =	vadd.f32 v13, v12;
	v8 =	vld [tilespmem:s20+$0x2940]  }
.LBB2_6:
0xb7: {  	s22 =	sadd.s32 $0x8, s22;
	v12 =	vld [tilespmem:s20+$0xA940]  }
0xb8: {  	s19 =	sadd.s32 $0x400, s19;
	s24 =	sshll.u32 s22, $0x4;
	p1 =	slt.u32 s22, $0x3F8;
	[tilespmem:s21+$0x10] =	vst v11;
	v6 =	vadd.f32 v10, v6;
	v10 =	vld [tilespmem:s20+$0x2950]  }
0xb9: {  	s26 =	sand.u32 $0x1C00, s19;
	s28 =	sshll.u32 s22, $0x1;
	s25 =	sand.u32 $0x2000, s24;
	v11 =	vld [tilespmem:s20+$0xA950]  }
0xba: {  	s25 =	sor.u32 s26, s25;
	s26 =	sand.u32 $0x380, s28;
	[tilespmem:s21+$0x20] =	vst v6;
	v6 =	vadd.f32 v9, v7;
	v7 =	vld [tilespmem:s20+$0x2960]  }
0xbb: {  	v9 =	vld [tilespmem:s20+$0xA960];
	s20 =	sor.u32 s26, s25  }
0xbc: {  	v13 =	vld [tilespmem:s20+$0x2970];
	[tilespmem:s21+$0x30] =	vst v6;
	v6 =	vadd.f32 v12, v8  }
0xbd: {  	v8 =	vld [tilespmem:s20+$0xA970]  }
0xbe: {  	v12 =	vld [tilespmem:s20+$0x2900];
	[tilespmem:s21+$0x40] =	vst v6;
	v6 =	vadd.f32 v11, v10  }
0xbf: {  	v11 =	vld [tilespmem:s20+$0xA900]  }
0xc0: {  	s23 =	sadd.s32 $0x80, s23;
	v14 =	vld [tilespmem:s20+$0x2910];
	[tilespmem:s21+$0x50] =	vst v6;
	v7 =	vadd.f32 v9, v7  }
0xc1: {  	s24 =	sand.u32 $0x3FFFFC00, s24;
	s25 =	sand.u32 $0x380, s23;
	v15 =	vld [tilespmem:s20+$0xA910]  }
.Ltmp4:
0xc2: {  	s24 =	sor.u32 s25, s24;
	v6 =	vld [tilespmem:s20+$0x2920];
	v8 =	vadd.f32 v8, v13;
	[tilespmem:s21+$0x60] =	vst v7;
	(pc) =	sbr.rel @p1 .LBB2_6-.Ltmp4, $4  }
0xc3: {  	s21 =	sadd.s32 $0x12900, s24;
	v10 =	vld [tilespmem:s20+$0xA920]  }
0xc4: {  	v11 =	vadd.f32 v11, v12;
	v7 =	vld [tilespmem:s20+$0x2930];
	[tilespmem:s21+$0x70] =	vst v8  }
0xc5: {  	v9 =	vld [tilespmem:s20+$0xA930]  }
0xc6: {  	[tilespmem:s24+$0x12900] =	vst v11;
	v11 =	vadd.f32 v15, v14;
	v8 =	vld [tilespmem:s20+$0x2940]  }
0xc7: {  	v12 =	vld [tilespmem:s20+$0xA940]  }
0xc8: {  	v13 =	vld [tilespmem:s20+$0x2950]  }
0xc9: {  	v14 =	vld [tilespmem:s20+$0xA950]  }
0xca: {  	v15 =	vld [tilespmem:s20+$0x2960]  }
0xcb: {  	v16 =	vld [tilespmem:s20+$0xA960]  }
0xcc: {  	v6 =	vadd.f32 v10, v6  }
0xcd: {  	[tilespmem:s21+$0x10] =	vst v11;
	v7 =	vadd.f32 v9, v7  }
0xce: {  	[tilespmem:s21+$0x20] =	vst v6;
	v6 =	vadd.f32 v12, v8  }
0xcf: {  	[tilespmem:s21+$0x30] =	vst v7;
	v7 =	vadd.f32 v14, v13  }
0xd0: {  	[tilespmem:s21+$0x40] =	vst v6;
	v6 =	vadd.f32 v16, v15  }
0xd1: {  	[tilespmem:s21+$0x50] =	vst v7  }
0xd2: {  	s7 =	simm.s32 $0x1100;
	s19 =	simm.s32 $0x12900;
	[tilespmem:s21+$0x60] =	vst v6  }
0xd3: {  	[hbm4b:s4+s17] =	stream.indirect.scatter [tilespmem:s19], [sflag:$0x5], $0x80, s7, s17, $0xb8;
	[tilespmem:$0x1A900] =	vst v63  }
0xd4: {  	v6 =	vld [tilespmem:$0xA00];
	_ =	sdelay $0x4  }
0xd5: {  	v7 =	vshll.u32 v6, $0x3  }
0xd6: {  	v6 =	vand.u32 $0x7, v6;
	v7 =	vand.u32 $0xFFFFFFC0, v7  }
0xd7: {  	v6 =	vor.u32 v6, v7  }
0xd8: {  	v7 =	vperm.xlane v6, v1;
	_ =	sdelay $0x1  }
0xd9: {  	v7 =	vadd.s32 v4, v7;
	_ =	sdelay $0x3  }
0xda: {  	s22 =	simm.s32 $0x2900;
	s19 =	simm.s32 $0x0  }
0xdb: {  	[tilespmem:s22], [sflag:$0x1] =	stream.indirect_vreg.gather [hbm4b:s1+s19], $0x80, v7, vm0, $0xb8;
	[tilespmem:$0x1A900] =	vst v63  }
0xdc: {  	s23 =	simm.s32 $0x3100;
	v6 =	vperm.xlane v6, v5  }
0xdd: {  	[tilespmem:s23], [sflag:$0x1] =	stream.indirect_vreg.gather [hbm4b:s9+s19], $0x80, v7, vm0, $0xb8;
	[tilespmem:$0x1A900] =	vst v63  }
0xde: {  	s24 =	simm.s32 $0x3900;
	v6 =	vadd.s32 v4, v6  }
0xdf: {  	[tilespmem:s24], [sflag:$0x1] =	stream.indirect_vreg.gather [hbm4b:s10+s19], $0x80, v7, vm0, $0xb8;
	[tilespmem:$0x1A900] =	vst v63  }
0xe0: {  	s25 =	simm.s32 $0x4100  }
0xe1: {  	[tilespmem:s25], [sflag:$0x1] =	stream.indirect_vreg.gather [hbm4b:s11+s19], $0x80, v7, vm0, $0xb8;
	[tilespmem:$0x1A900] =	vst v63  }
0xe2: {  	s26 =	simm.s32 $0x4900  }
0xe3: {  	[tilespmem:s26], [sflag:$0x1] =	stream.indirect_vreg.gather [hbm4b:s1+s19], $0x80, v6, vm0, $0xb8;
	[tilespmem:$0x1A900] =	vst v63  }
0xe4: {  	s28 =	simm.s32 $0x5100  }
0xe5: {  	[tilespmem:s28], [sflag:$0x1] =	stream.indirect_vreg.gather [hbm4b:s9+s19], $0x80, v6, vm0, $0xb8;
	[tilespmem:$0x1A900] =	vst v63  }
0xe6: {  	s29 =	simm.s32 $0x5900  }
0xe7: {  	[tilespmem:s29], [sflag:$0x1] =	stream.indirect_vreg.gather [hbm4b:s10+s19], $0x80, v6, vm0, $0xb8;
	[tilespmem:$0x1A900] =	vst v63  }
0xe8: {  	s30 =	simm.s32 $0x6100  }
0xe9: {  	[tilespmem:s30], [sflag:$0x1] =	stream.indirect_vreg.gather [hbm4b:s11+s19], $0x80, v6, vm0, $0xb8;
	[tilespmem:$0x1A900] =	vst v63  }
0xea: {  	v6 =	vld [tilespmem:$0x200];
	_ =	sdelay $0x4  }
0xeb: {  	v7 =	vshll.u32 v6, $0x3  }
0xec: {  	v6 =	vand.u32 $0x7, v6;
	v7 =	vand.u32 $0xFFFFFFC0, v7  }
0xed: {  	v6 =	vor.u32 v6, v7  }
0xee: {  	v7 =	vperm.xlane v6, v1;
	_ =	sdelay $0x1  }
0xef: {  	v7 =	vadd.s32 v4, v7;
	_ =	sdelay $0x3  }
0xf0: {  	s31 =	simm.s32 $0xA900  }
0xf1: {  	[tilespmem:s31], [sflag:$0x3] =	stream.indirect_vreg.gather [hbm4b:s2+s19], $0x80, v7, vm0, $0xb8;
	[tilespmem:$0x1A900] =	vst v63  }
0xf2: {  	s20 =	simm.s32 $0xB100;
	v6 =	vperm.xlane v6, v5  }
0xf3: {  	[tilespmem:s20], [sflag:$0x3] =	stream.indirect_vreg.gather [hbm4b:s12+s19], $0x80, v7, vm0, $0xb8;
	[tilespmem:$0x1A900] =	vst v63  }
0xf4: {  	s21 =	simm.s32 $0xB900;
	v6 =	vadd.s32 v4, v6  }
0xf5: {  	[tilespmem:s21], [sflag:$0x3] =	stream.indirect_vreg.gather [hbm4b:s13+s19], $0x80, v7, vm0, $0xb8;
	[tilespmem:$0x1A900] =	vst v63  }
0xf6: {  	s22 =	simm.s32 $0xC100  }
0xf7: {  	[tilespmem:s22], [sflag:$0x3] =	stream.indirect_vreg.gather [hbm4b:s14+s19], $0x80, v7, vm0, $0xb8;
	[tilespmem:$0x1A900] =	vst v63  }
0xf8: {  	s23 =	simm.s32 $0xC900  }
0xf9: {  	[tilespmem:s23], [sflag:$0x3] =	stream.indirect_vreg.gather [hbm4b:s2+s19], $0x80, v6, vm0, $0xb8;
	[tilespmem:$0x1A900] =	vst v63  }
0xfa: {  	s24 =	simm.s32 $0xD100  }
0xfb: {  	[tilespmem:s24], [sflag:$0x3] =	stream.indirect_vreg.gather [hbm4b:s12+s19], $0x80, v6, vm0, $0xb8;
	[tilespmem:$0x1A900] =	vst v63  }
0xfc: {  	s25 =	simm.s32 $0xD900  }
0xfd: {  	[tilespmem:s25], [sflag:$0x3] =	stream.indirect_vreg.gather [hbm4b:s13+s19], $0x80, v6, vm0, $0xb8;
	[tilespmem:$0x1A900] =	vst v63  }
0xfe: {  	s26 =	simm.s32 $0xE100  }
0xff: {  	[tilespmem:s26], [sflag:$0x3] =	stream.indirect_vreg.gather [hbm4b:s14+s19], $0x80, v6, vm0, $0xb8;
	[tilespmem:$0x1A900] =	vst v63  }
0x100: {  	_ =	swait.ge [sflag:s8], $0x4000  }
0x101: {  	s28 =	simm.s32 $0x0;
	[sflag:s8] =	ssyncset.done $0x0  }
0x102: {  	s29 =	sand.u32 $0x2000, s28;
	[sflag:s8] =	ssyncadd.s32 $0xFFFFC000  }
0x103: {  	s22 =	sand.u32 $0x1C00, s19;
	s23 =	simm.s32 $0x0;
	_ =	swait.ge [sflag:s16], $0x4000  }
0x104: {  	s20 =	sor.u32 s22, s29;
	s30 =	sand.u32 $0x380, s23;
	[sflag:s16] =	ssyncset.done $0x0  }
0x105: {  	s20 =	sor.u32 s30, s20;
	[sflag:s16] =	ssyncadd.s32 $0xFFFFC000  }
0x106: {  	v7 =	vld [tilespmem:s20+$0x6970]  }
0x107: {  	v8 =	vld [tilespmem:s20+$0xE970]  }
0x108: {  	v9 =	vld [tilespmem:s20+$0x6900]  }
0x109: {  	v11 =	vld [tilespmem:s20+$0xE900]  }
0x10a: {  	v62 =	vld [tilespmem:s20+$0x6910]  }
0x10b: {  	v63 =	vld [tilespmem:s20+$0xE910]  }
0x10c: {  	s31 =	sand.u32 $0x380, s19;
	s21 =	sand.u32 $0x3FFFFC00, s28;
	v6 =	vld [tilespmem:s20+$0x6920]  }
0x10d: {  	s21 =	sor.u32 s31, s21;
	v10 =	vld [tilespmem:s20+$0xE920];
	v8 =	vadd.f32 v8, v7  }
0x10e: {  	s21 =	sadd.s32 $0x12900, s21;
	v11 =	vadd.f32 v11, v9;
	v7 =	vld [tilespmem:s20+$0x6930]  }
0x10f: {  	v9 =	vld [tilespmem:s20+$0xE930];
	[tilespmem:s21+$0x4070] =	vst v8  }
0x110: {  	s22 =	simm.s32 $0x0;
	s23 =	simm.s32 $0x0;
	[tilespmem:s21+$0x4000] =	vst v11;
	v11 =	vadd.f32 v63, v62;
	v8 =	vld [tilespmem:s20+$0x6940]  }
.LBB2_8:
0x111: {  	s22 =	sadd.s32 $0x8, s22;
	v12 =	vld [tilespmem:s20+$0xE940]  }
0x112: {  	s19 =	sadd.s32 $0x400, s19;
	s24 =	sshll.u32 s22, $0x4;
	p1 =	slt.u32 s22, $0x3F8;
	[tilespmem:s21+$0x4010] =	vst v11;
	v6 =	vadd.f32 v10, v6;
	v10 =	vld [tilespmem:s20+$0x6950]  }
0x113: {  	s26 =	sand.u32 $0x1C00, s19;
	s28 =	sshll.u32 s22, $0x1;
	s25 =	sand.u32 $0x2000, s24;
	v11 =	vld [tilespmem:s20+$0xE950]  }
0x114: {  	s25 =	sor.u32 s26, s25;
	s26 =	sand.u32 $0x380, s28;
	[tilespmem:s21+$0x4020] =	vst v6;
	v6 =	vadd.f32 v9, v7;
	v7 =	vld [tilespmem:s20+$0x6960]  }
0x115: {  	v9 =	vld [tilespmem:s20+$0xE960];
	s20 =	sor.u32 s26, s25  }
0x116: {  	v13 =	vld [tilespmem:s20+$0x6970];
	[tilespmem:s21+$0x4030] =	vst v6;
	v6 =	vadd.f32 v12, v8  }
0x117: {  	v8 =	vld [tilespmem:s20+$0xE970]  }
0x118: {  	v12 =	vld [tilespmem:s20+$0x6900];
	[tilespmem:s21+$0x4040] =	vst v6;
	v6 =	vadd.f32 v11, v10  }
0x119: {  	v11 =	vld [tilespmem:s20+$0xE900]  }
0x11a: {  	s23 =	sadd.s32 $0x80, s23;
	v14 =	vld [tilespmem:s20+$0x6910];
	[tilespmem:s21+$0x4050] =	vst v6;
	v7 =	vadd.f32 v9, v7  }
0x11b: {  	s24 =	sand.u32 $0x3FFFFC00, s24;
	s25 =	sand.u32 $0x380, s23;
	v15 =	vld [tilespmem:s20+$0xE910]  }
.Ltmp5:
0x11c: {  	s24 =	sor.u32 s25, s24;
	v6 =	vld [tilespmem:s20+$0x6920];
	v8 =	vadd.f32 v8, v13;
	[tilespmem:s21+$0x4060] =	vst v7;
	(pc) =	sbr.rel @p1 .LBB2_8-.Ltmp5, $4  }
0x11d: {  	s21 =	sadd.s32 $0x12900, s24;
	v10 =	vld [tilespmem:s20+$0xE920]  }
0x11e: {  	v11 =	vadd.f32 v11, v12;
	v7 =	vld [tilespmem:s20+$0x6930];
	[tilespmem:s21+$0x4070] =	vst v8  }
0x11f: {  	v9 =	vld [tilespmem:s20+$0xE930]  }
0x120: {  	[tilespmem:s21+$0x4000] =	vst v11;
	v11 =	vadd.f32 v15, v14;
	v8 =	vld [tilespmem:s20+$0x6940]  }
0x121: {  	v12 =	vld [tilespmem:s20+$0xE940]  }
0x122: {  	v13 =	vld [tilespmem:s20+$0x6950]  }
0x123: {  	v14 =	vld [tilespmem:s20+$0xE950]  }
0x124: {  	v15 =	vld [tilespmem:s20+$0x6960]  }
0x125: {  	v16 =	vld [tilespmem:s20+$0xE960]  }
0x126: {  	v6 =	vadd.f32 v10, v6  }
0x127: {  	[tilespmem:s21+$0x4010] =	vst v11;
	v7 =	vadd.f32 v9, v7  }
0x128: {  	[tilespmem:s21+$0x4020] =	vst v6;
	v6 =	vadd.f32 v12, v8  }
0x129: {  	[tilespmem:s21+$0x4030] =	vst v7;
	v7 =	vadd.f32 v14, v13  }
0x12a: {  	[tilespmem:s21+$0x4040] =	vst v6;
	v6 =	vadd.f32 v16, v15  }
0x12b: {  	[tilespmem:s21+$0x4050] =	vst v7  }
0x12c: {  	s7 =	simm.s32 $0x1180;
	s19 =	simm.s32 $0x0;
	s20 =	simm.s32 $0x0;
	[tilespmem:s21+$0x4060] =	vst v6  }
0x12d: {  	[hbm4b:s4+s17] =	stream.indirect.scatter [tilespmem:s6], [sflag:$0x6], $0x80, s7, s17, $0xb8;
	[tilespmem:$0x1A900] =	vst v63  }
.LBB2_10:
0x12e: {  	s20 =	sadd.s32 $0x1, s20  }
0x12f: {  	s22 =	sshll.u32 s20, $0x8  }
0x130: {  	v6 =	vld [tilespmem:s22+$0x980];
	_ =	sdelay $0x4  }
0x131: {  	v7 =	vshll.u32 v6, $0x3  }
0x132: {  	v6 =	vand.u32 $0x7, v6;
	v7 =	vand.u32 $0xFFFFFFC0, v7  }
0x133: {  	v6 =	vor.u32 v6, v7  }
0x134: {  	v7 =	vperm.xlane v6, v1;
	_ =	sdelay $0x1  }
0x135: {  	v7 =	vadd.s32 v4, v7;
	_ =	sdelay $0x3  }
0x136: {  	s7 =	simm.s32 $0x6900  }
0x137: {  	[tilespmem:s7], [sflag:$0x2] =	stream.indirect_vreg.gather [hbm4b:s1+s19], $0x80, v7, vm0, $0xb8;
	[tilespmem:$0x1A900] =	vst v63  }
0x138: {  	s31 =	simm.s32 $0x7100;
	v6 =	vperm.xlane v6, v5  }
0x139: {  	[tilespmem:s31], [sflag:$0x2] =	stream.indirect_vreg.gather [hbm4b:s9+s19], $0x80, v7, vm0, $0xb8;
	[tilespmem:$0x1A900] =	vst v63  }
0x13a: {  	s21 =	simm.s32 $0x7900;
	v6 =	vadd.s32 v4, v6  }
0x13b: {  	[tilespmem:s21], [sflag:$0x2] =	stream.indirect_vreg.gather [hbm4b:s10+s19], $0x80, v7, vm0, $0xb8;
	[tilespmem:$0x1A900] =	vst v63  }
0x13c: {  	s23 =	simm.s32 $0x8100  }
0x13d: {  	[tilespmem:s23], [sflag:$0x2] =	stream.indirect_vreg.gather [hbm4b:s11+s19], $0x80, v7, vm0, $0xb8;
	[tilespmem:$0x1A900] =	vst v63  }
0x13e: {  	s24 =	simm.s32 $0x8900  }
0x13f: {  	[tilespmem:s24], [sflag:$0x2] =	stream.indirect_vreg.gather [hbm4b:s1+s19], $0x80, v6, vm0, $0xb8;
	[tilespmem:$0x1A900] =	vst v63  }
0x140: {  	s25 =	simm.s32 $0x9100  }
0x141: {  	[tilespmem:s25], [sflag:$0x2] =	stream.indirect_vreg.gather [hbm4b:s9+s19], $0x80, v6, vm0, $0xb8;
	[tilespmem:$0x1A900] =	vst v63  }
0x142: {  	s26 =	simm.s32 $0x9900  }
0x143: {  	[tilespmem:s26], [sflag:$0x2] =	stream.indirect_vreg.gather [hbm4b:s10+s19], $0x80, v6, vm0, $0xb8;
	[tilespmem:$0x1A900] =	vst v63  }
0x144: {  	s29 =	simm.s32 $0xA100  }
0x145: {  	[tilespmem:s29], [sflag:$0x2] =	stream.indirect_vreg.gather [hbm4b:s11+s19], $0x80, v6, vm0, $0xb8;
	[tilespmem:$0x1A900] =	vst v63  }
0x146: {  	v6 =	vld [tilespmem:s22+$0x180];
	_ =	sdelay $0x4  }
0x147: {  	v7 =	vshll.u32 v6, $0x3  }
0x148: {  	v6 =	vand.u32 $0x7, v6;
	v7 =	vand.u32 $0xFFFFFFC0, v7  }
0x149: {  	v6 =	vor.u32 v6, v7  }
0x14a: {  	v7 =	vperm.xlane v6, v1;
	_ =	sdelay $0x1  }
0x14b: {  	v7 =	vadd.s32 v4, v7;
	_ =	sdelay $0x3  }
0x14c: {  	s30 =	simm.s32 $0xE900  }
0x14d: {  	[tilespmem:s30], [sflag:$0x4] =	stream.indirect_vreg.gather [hbm4b:s2+s19], $0x80, v7, vm0, $0xb8;
	[tilespmem:$0x1A900] =	vst v63  }
0x14e: {  	s31 =	simm.s32 $0xF100;
	v6 =	vperm.xlane v6, v5  }
0x14f: {  	[tilespmem:s31], [sflag:$0x4] =	stream.indirect_vreg.gather [hbm4b:s12+s19], $0x80, v7, vm0, $0xb8;
	[tilespmem:$0x1A900] =	vst v63  }
0x150: {  	s21 =	simm.s32 $0xF900;
	v6 =	vadd.s32 v4, v6  }
0x151: {  	[tilespmem:s21], [sflag:$0x4] =	stream.indirect_vreg.gather [hbm4b:s13+s19], $0x80, v7, vm0, $0xb8;
	[tilespmem:$0x1A900] =	vst v63  }
0x152: {  	s23 =	simm.s32 $0x10100  }
0x153: {  	[tilespmem:s23], [sflag:$0x4] =	stream.indirect_vreg.gather [hbm4b:s14+s19], $0x80, v7, vm0, $0xb8;
	[tilespmem:$0x1A900] =	vst v63  }
0x154: {  	s24 =	simm.s32 $0x10900  }
0x155: {  	[tilespmem:s24], [sflag:$0x4] =	stream.indirect_vreg.gather [hbm4b:s2+s19], $0x80, v6, vm0, $0xb8;
	[tilespmem:$0x1A900] =	vst v63  }
0x156: {  	s25 =	simm.s32 $0x11100  }
0x157: {  	[tilespmem:s25], [sflag:$0x4] =	stream.indirect_vreg.gather [hbm4b:s12+s19], $0x80, v6, vm0, $0xb8;
	[tilespmem:$0x1A900] =	vst v63  }
0x158: {  	s26 =	simm.s32 $0x11900  }
0x159: {  	[tilespmem:s26], [sflag:$0x4] =	stream.indirect_vreg.gather [hbm4b:s13+s19], $0x80, v6, vm0, $0xb8;
	[tilespmem:$0x1A900] =	vst v63  }
0x15a: {  	s29 =	simm.s32 $0x12100  }
0x15b: {  	[tilespmem:s29], [sflag:$0x4] =	stream.indirect_vreg.gather [hbm4b:s14+s19], $0x80, v6, vm0, $0xb8;
	[tilespmem:$0x1A900] =	vst v63  }
0x15c: {  	_ =	swait.ge [sflag:s0], $0x4000  }
0x15d: {  	[sflag:s0] =	ssyncset.done $0x0  }
0x15e: {  	[sflag:s0] =	ssyncadd.s32 $0xFFFFC000  }
0x15f: {  	_ =	swait.ge [sflag:s3], $0x4000  }
0x160: {  	s21 =	simm.s32 $0x0;
	[sflag:s3] =	ssyncset.done $0x0  }
0x161: {  	s23 =	sand.u32 $0x2000, s21;
	[sflag:s3] =	ssyncadd.s32 $0xFFFFC000  }
0x162: {  	s24 =	sand.u32 $0x1C00, s19;
	s25 =	simm.s32 $0x0;
	_ =	swait.ge [sflag:s5], $0x4000  }
0x163: {  	s23 =	sor.u32 s24, s23;
	s30 =	sand.u32 $0x380, s25;
	[sflag:s5] =	ssyncset.done $0x0  }
0x164: {  	s23 =	sor.u32 s30, s23;
	[sflag:s5] =	ssyncadd.s32 $0xFFFFC000  }
0x165: {  	v7 =	vld [tilespmem:s23+$0x2970]  }
0x166: {  	v8 =	vld [tilespmem:s23+$0xA970]  }
0x167: {  	v9 =	vld [tilespmem:s23+$0x2900]  }
0x168: {  	v11 =	vld [tilespmem:s23+$0xA900]  }
0x169: {  	v12 =	vld [tilespmem:s23+$0x2910]  }
0x16a: {  	v13 =	vld [tilespmem:s23+$0xA910]  }
0x16b: {  	s31 =	sand.u32 $0x380, s19;
	s21 =	sand.u32 $0x3FFFFC00, s21;
	v6 =	vld [tilespmem:s23+$0x2920]  }
0x16c: {  	s26 =	sor.u32 s31, s21;
	v10 =	vld [tilespmem:s23+$0xA920];
	v8 =	vadd.f32 v8, v7  }
0x16d: {  	s24 =	sadd.s32 $0x12900, s26;
	v11 =	vadd.f32 v11, v9;
	v7 =	vld [tilespmem:s23+$0x2930]  }
0x16e: {  	s28 =	simm.s32 $0x0;
	v9 =	vld [tilespmem:s23+$0xA930];
	[tilespmem:s24+$0x70] =	vst v8  }
0x16f: {  	s25 =	simm.s32 $0x0;
	s21 =	sor.u32 $0x80, s22;
	[tilespmem:s26+$0x12900] =	vst v11;
	v11 =	vadd.f32 v13, v12;
	v8 =	vld [tilespmem:s23+$0x2940];
	s26 =	simm.s32 $0x0  }
.LBB2_11:
0x170: {  	s25 =	sadd.s32 $0x8, s25;
	v12 =	vld [tilespmem:s23+$0xA940]  }
0x171: {  	s26 =	sadd.s32 $0x400, s26;
	s29 =	sshll.u32 s25, $0x4;
	p1 =	slt.u32 s25, $0x3F8;
	[tilespmem:s24+$0x10] =	vst v11;
	v6 =	vadd.f32 v10, v6;
	v10 =	vld [tilespmem:s23+$0x2950]  }
0x172: {  	s31 =	sand.u32 $0x1C00, s26;
	s7 =	sshll.u32 s25, $0x1;
	s30 =	sand.u32 $0x2000, s29;
	v11 =	vld [tilespmem:s23+$0xA950]  }
0x173: {  	s7 =	sand.u32 $0x380, s7;
	s30 =	sor.u32 s31, s30;
	[tilespmem:s24+$0x20] =	vst v6;
	v6 =	vadd.f32 v9, v7;
	v7 =	vld [tilespmem:s23+$0x2960]  }
0x174: {  	v9 =	vld [tilespmem:s23+$0xA960];
	s23 =	sor.u32 s7, s30  }
0x175: {  	v13 =	vld [tilespmem:s23+$0x2970];
	[tilespmem:s24+$0x30] =	vst v6;
	v6 =	vadd.f32 v12, v8  }
0x176: {  	v8 =	vld [tilespmem:s23+$0xA970]  }
0x177: {  	v12 =	vld [tilespmem:s23+$0x2900];
	[tilespmem:s24+$0x40] =	vst v6;
	v6 =	vadd.f32 v11, v10  }
0x178: {  	v11 =	vld [tilespmem:s23+$0xA900]  }
0x179: {  	s28 =	sadd.s32 $0x80, s28;
	v14 =	vld [tilespmem:s23+$0x2910];
	[tilespmem:s24+$0x50] =	vst v6;
	v7 =	vadd.f32 v9, v7  }
0x17a: {  	s29 =	sand.u32 $0x3FFFFC00, s29;
	s7 =	sand.u32 $0x380, s28;
	v15 =	vld [tilespmem:s23+$0xA910]  }
.Ltmp6:
0x17b: {  	s7 =	sor.u32 s7, s29;
	v6 =	vld [tilespmem:s23+$0x2920];
	v8 =	vadd.f32 v8, v13;
	[tilespmem:s24+$0x60] =	vst v7;
	(pc) =	sbr.rel @p1 .LBB2_11-.Ltmp6, $4  }
0x17c: {  	s24 =	sadd.s32 $0x12900, s7;
	v10 =	vld [tilespmem:s23+$0xA920]  }
0x17d: {  	v11 =	vadd.f32 v11, v12;
	v7 =	vld [tilespmem:s23+$0x2930];
	[tilespmem:s24+$0x70] =	vst v8  }
0x17e: {  	v9 =	vld [tilespmem:s23+$0xA930]  }
0x17f: {  	[tilespmem:s7+$0x12900] =	vst v11;
	v11 =	vadd.f32 v15, v14;
	v8 =	vld [tilespmem:s23+$0x2940]  }
0x180: {  	v12 =	vld [tilespmem:s23+$0xA940]  }
0x181: {  	v13 =	vld [tilespmem:s23+$0x2950]  }
0x182: {  	v14 =	vld [tilespmem:s23+$0xA950]  }
0x183: {  	v15 =	vld [tilespmem:s23+$0x2960]  }
0x184: {  	v16 =	vld [tilespmem:s23+$0xA960]  }
0x185: {  	v6 =	vadd.f32 v10, v6  }
0x186: {  	[tilespmem:s24+$0x10] =	vst v11;
	v7 =	vadd.f32 v9, v7  }
0x187: {  	[tilespmem:s24+$0x20] =	vst v6;
	v6 =	vadd.f32 v12, v8  }
0x188: {  	[tilespmem:s24+$0x30] =	vst v7;
	v7 =	vadd.f32 v14, v13  }
0x189: {  	[tilespmem:s24+$0x40] =	vst v6;
	v6 =	vadd.f32 v16, v15  }
0x18a: {  	s7 =	sand.u32 $0x3FFFFF00, s22;
	[tilespmem:s24+$0x50] =	vst v7  }
0x18b: {  	s7 =	sadd.s32 $0x1100, s7;
	[tilespmem:s24+$0x60] =	vst v6;
	s24 =	simm.s32 $0x12900  }
0x18c: {  	[hbm4b:s4+s17] =	stream.indirect.scatter [tilespmem:s24], [sflag:$0x5], $0x80, s7, s17, $0xb8;
	[tilespmem:$0x1A900] =	vst v63  }
0x18d: {  	v6 =	vld [tilespmem:s22+$0xA00];
	_ =	sdelay $0x4  }
0x18e: {  	v7 =	vshll.u32 v6, $0x3  }
0x18f: {  	v6 =	vand.u32 $0x7, v6;
	v7 =	vand.u32 $0xFFFFFFC0, v7  }
0x190: {  	v6 =	vor.u32 v6, v7  }
0x191: {  	v7 =	vperm.xlane v6, v1;
	_ =	sdelay $0x1  }
0x192: {  	v7 =	vadd.s32 v4, v7;
	_ =	sdelay $0x3  }
0x193: {  	s23 =	simm.s32 $0x0;
	s25 =	simm.s32 $0x2900  }
0x194: {  	[tilespmem:s25], [sflag:$0x1] =	stream.indirect_vreg.gather [hbm4b:s1+s23], $0x80, v7, vm0, $0xb8;
	[tilespmem:$0x1A900] =	vst v63  }
0x195: {  	s26 =	simm.s32 $0x3100;
	v6 =	vperm.xlane v6, v5  }
0x196: {  	[tilespmem:s26], [sflag:$0x1] =	stream.indirect_vreg.gather [hbm4b:s9+s23], $0x80, v7, vm0, $0xb8;
	[tilespmem:$0x1A900] =	vst v63  }
0x197: {  	s28 =	simm.s32 $0x3900;
	v6 =	vadd.s32 v4, v6  }
0x198: {  	[tilespmem:s28], [sflag:$0x1] =	stream.indirect_vreg.gather [hbm4b:s10+s23], $0x80, v7, vm0, $0xb8;
	[tilespmem:$0x1A900] =	vst v63  }
0x199: {  	s29 =	simm.s32 $0x4100  }
0x19a: {  	[tilespmem:s29], [sflag:$0x1] =	stream.indirect_vreg.gather [hbm4b:s11+s23], $0x80, v7, vm0, $0xb8;
	[tilespmem:$0x1A900] =	vst v63  }
0x19b: {  	s30 =	simm.s32 $0x4900  }
0x19c: {  	[tilespmem:s30], [sflag:$0x1] =	stream.indirect_vreg.gather [hbm4b:s1+s23], $0x80, v6, vm0, $0xb8;
	[tilespmem:$0x1A900] =	vst v63  }
0x19d: {  	s31 =	simm.s32 $0x5100  }
0x19e: {  	[tilespmem:s31], [sflag:$0x1] =	stream.indirect_vreg.gather [hbm4b:s9+s23], $0x80, v6, vm0, $0xb8;
	[tilespmem:$0x1A900] =	vst v63  }
0x19f: {  	s24 =	simm.s32 $0x5900  }
0x1a0: {  	[tilespmem:s24], [sflag:$0x1] =	stream.indirect_vreg.gather [hbm4b:s10+s23], $0x80, v6, vm0, $0xb8;
	[tilespmem:$0x1A900] =	vst v63  }
0x1a1: {  	s25 =	simm.s32 $0x6100  }
0x1a2: {  	[tilespmem:s25], [sflag:$0x1] =	stream.indirect_vreg.gather [hbm4b:s11+s23], $0x80, v6, vm0, $0xb8;
	[tilespmem:$0x1A900] =	vst v63  }
0x1a3: {  	v6 =	vld [tilespmem:s22+$0x200];
	_ =	sdelay $0x4  }
0x1a4: {  	v7 =	vshll.u32 v6, $0x3  }
0x1a5: {  	v6 =	vand.u32 $0x7, v6;
	v7 =	vand.u32 $0xFFFFFFC0, v7  }
0x1a6: {  	v6 =	vor.u32 v6, v7  }
0x1a7: {  	v7 =	vperm.xlane v6, v1;
	_ =	sdelay $0x1  }
0x1a8: {  	v7 =	vadd.s32 v4, v7;
	_ =	sdelay $0x3  }
0x1a9: {  	s26 =	simm.s32 $0xA900  }
0x1aa: {  	[tilespmem:s26], [sflag:$0x3] =	stream.indirect_vreg.gather [hbm4b:s2+s23], $0x80, v7, vm0, $0xb8;
	[tilespmem:$0x1A900] =	vst v63  }
0x1ab: {  	s28 =	simm.s32 $0xB100;
	v6 =	vperm.xlane v6, v5  }
0x1ac: {  	[tilespmem:s28], [sflag:$0x3] =	stream.indirect_vreg.gather [hbm4b:s12+s23], $0x80, v7, vm0, $0xb8;
	[tilespmem:$0x1A900] =	vst v63  }
0x1ad: {  	s29 =	simm.s32 $0xB900;
	v6 =	vadd.s32 v4, v6  }
0x1ae: {  	[tilespmem:s29], [sflag:$0x3] =	stream.indirect_vreg.gather [hbm4b:s13+s23], $0x80, v7, vm0, $0xb8;
	[tilespmem:$0x1A900] =	vst v63  }
0x1af: {  	s30 =	simm.s32 $0xC100  }
0x1b0: {  	[tilespmem:s30], [sflag:$0x3] =	stream.indirect_vreg.gather [hbm4b:s14+s23], $0x80, v7, vm0, $0xb8;
	[tilespmem:$0x1A900] =	vst v63  }
0x1b1: {  	s31 =	simm.s32 $0xC900  }
0x1b2: {  	[tilespmem:s31], [sflag:$0x3] =	stream.indirect_vreg.gather [hbm4b:s2+s23], $0x80, v6, vm0, $0xb8;
	[tilespmem:$0x1A900] =	vst v63  }
0x1b3: {  	s22 =	simm.s32 $0xD100  }
0x1b4: {  	[tilespmem:s22], [sflag:$0x3] =	stream.indirect_vreg.gather [hbm4b:s12+s23], $0x80, v6, vm0, $0xb8;
	[tilespmem:$0x1A900] =	vst v63  }
0x1b5: {  	s24 =	simm.s32 $0xD900  }
0x1b6: {  	[tilespmem:s24], [sflag:$0x3] =	stream.indirect_vreg.gather [hbm4b:s13+s23], $0x80, v6, vm0, $0xb8;
	[tilespmem:$0x1A900] =	vst v63  }
0x1b7: {  	s25 =	simm.s32 $0xE100  }
0x1b8: {  	[tilespmem:s25], [sflag:$0x3] =	stream.indirect_vreg.gather [hbm4b:s14+s23], $0x80, v6, vm0, $0xb8;
	[tilespmem:$0x1A900] =	vst v63  }
0x1b9: {  	_ =	swait.ge [sflag:s8], $0x4000  }
0x1ba: {  	[sflag:s8] =	ssyncset.done $0x0  }
0x1bb: {  	[sflag:s8] =	ssyncadd.s32 $0xFFFFC000  }
0x1bc: {  	_ =	swait.ge [sflag:s16], $0x4000  }
0x1bd: {  	s26 =	simm.s32 $0x0;
	[sflag:s16] =	ssyncset.done $0x0  }
0x1be: {  	s28 =	sand.u32 $0x2000, s26;
	[sflag:s16] =	ssyncadd.s32 $0xFFFFC000  }
0x1bf: {  	s29 =	sand.u32 $0x1C00, s23;
	s25 =	simm.s32 $0x0;
	_ =	swait.ge [sflag:s18], $0x4000  }
0x1c0: {  	s22 =	sor.u32 s29, s28;
	s30 =	sand.u32 $0x380, s25;
	[sflag:s18] =	ssyncset.done $0x0  }
0x1c1: {  	s22 =	sor.u32 s30, s22;
	[sflag:s18] =	ssyncadd.s32 $0xFFFFC000  }
0x1c2: {  	v7 =	vld [tilespmem:s22+$0x6970]  }
0x1c3: {  	v8 =	vld [tilespmem:s22+$0xE970]  }
0x1c4: {  	v9 =	vld [tilespmem:s22+$0x6900]  }
0x1c5: {  	v11 =	vld [tilespmem:s22+$0xE900]  }
0x1c6: {  	v62 =	vld [tilespmem:s22+$0x6910]  }
0x1c7: {  	v63 =	vld [tilespmem:s22+$0xE910]  }
0x1c8: {  	s7 =	sand.u32 $0x3FFFFC00, s26;
	s31 =	sand.u32 $0x380, s23;
	v6 =	vld [tilespmem:s22+$0x6920]  }
0x1c9: {  	s7 =	sor.u32 s31, s7;
	v10 =	vld [tilespmem:s22+$0xE920];
	v8 =	vadd.f32 v8, v7  }
0x1ca: {  	s24 =	sadd.s32 $0x12900, s7;
	v11 =	vadd.f32 v11, v9;
	v7 =	vld [tilespmem:s22+$0x6930]  }
0x1cb: {  	v9 =	vld [tilespmem:s22+$0xE930];
	[tilespmem:s24+$0x4070] =	vst v8  }
0x1cc: {  	s26 =	simm.s32 $0x0;
	s25 =	simm.s32 $0x0;
	[tilespmem:s24+$0x4000] =	vst v11;
	v11 =	vadd.f32 v63, v62;
	v8 =	vld [tilespmem:s22+$0x6940]  }
.LBB2_13:
0x1cd: {  	s25 =	sadd.s32 $0x8, s25;
	v12 =	vld [tilespmem:s22+$0xE940]  }
0x1ce: {  	s23 =	sadd.s32 $0x400, s23;
	s7 =	sshll.u32 s25, $0x4;
	p1 =	slt.u32 s25, $0x3F8;
	[tilespmem:s24+$0x4010] =	vst v11;
	v6 =	vadd.f32 v10, v6;
	v10 =	vld [tilespmem:s22+$0x6950]  }
0x1cf: {  	s29 =	sand.u32 $0x1C00, s23;
	s30 =	sshll.u32 s25, $0x1;
	s28 =	sand.u32 $0x2000, s7;
	v11 =	vld [tilespmem:s22+$0xE950]  }
0x1d0: {  	s28 =	sor.u32 s29, s28;
	s29 =	sand.u32 $0x380, s30;
	[tilespmem:s24+$0x4020] =	vst v6;
	v6 =	vadd.f32 v9, v7;
	v7 =	vld [tilespmem:s22+$0x6960]  }
0x1d1: {  	v9 =	vld [tilespmem:s22+$0xE960];
	s22 =	sor.u32 s29, s28  }
0x1d2: {  	v13 =	vld [tilespmem:s22+$0x6970];
	[tilespmem:s24+$0x4030] =	vst v6;
	v6 =	vadd.f32 v12, v8  }
0x1d3: {  	v8 =	vld [tilespmem:s22+$0xE970]  }
0x1d4: {  	v12 =	vld [tilespmem:s22+$0x6900];
	[tilespmem:s24+$0x4040] =	vst v6;
	v6 =	vadd.f32 v11, v10  }
0x1d5: {  	v11 =	vld [tilespmem:s22+$0xE900]  }
0x1d6: {  	s26 =	sadd.s32 $0x80, s26;
	v14 =	vld [tilespmem:s22+$0x6910];
	[tilespmem:s24+$0x4050] =	vst v6;
	v7 =	vadd.f32 v9, v7  }
0x1d7: {  	s7 =	sand.u32 $0x3FFFFC00, s7;
	s28 =	sand.u32 $0x380, s26;
	v15 =	vld [tilespmem:s22+$0xE910]  }
.Ltmp7:
0x1d8: {  	s7 =	sor.u32 s28, s7;
	v6 =	vld [tilespmem:s22+$0x6920];
	v8 =	vadd.f32 v8, v13;
	[tilespmem:s24+$0x4060] =	vst v7;
	(pc) =	sbr.rel @p1 .LBB2_13-.Ltmp7, $4  }
0x1d9: {  	s24 =	sadd.s32 $0x12900, s7;
	v10 =	vld [tilespmem:s22+$0xE920]  }
0x1da: {  	v11 =	vadd.f32 v11, v12;
	v7 =	vld [tilespmem:s22+$0x6930];
	[tilespmem:s24+$0x4070] =	vst v8  }
0x1db: {  	v9 =	vld [tilespmem:s22+$0xE930]  }
0x1dc: {  	[tilespmem:s24+$0x4000] =	vst v11;
	v11 =	vadd.f32 v15, v14;
	v8 =	vld [tilespmem:s22+$0x6940]  }
0x1dd: {  	v12 =	vld [tilespmem:s22+$0xE940]  }
0x1de: {  	v13 =	vld [tilespmem:s22+$0x6950]  }
0x1df: {  	v14 =	vld [tilespmem:s22+$0xE950]  }
0x1e0: {  	v15 =	vld [tilespmem:s22+$0x6960]  }
0x1e1: {  	v16 =	vld [tilespmem:s22+$0xE960]  }
0x1e2: {  	v6 =	vadd.f32 v10, v6  }
0x1e3: {  	[tilespmem:s24+$0x4010] =	vst v11;
	v7 =	vadd.f32 v9, v7  }
0x1e4: {  	p1 =	sne.s32 s20, $0x6;
	[tilespmem:s24+$0x4020] =	vst v6;
	v6 =	vadd.f32 v12, v8  }
.Ltmp8:
0x1e5: {  	[tilespmem:s24+$0x4030] =	vst v7;
	v7 =	vadd.f32 v14, v13;
	(pc) =	sbr.rel @p1 .LBB2_10-.Ltmp8, $4  }
0x1e6: {  	[tilespmem:s24+$0x4040] =	vst v6;
	v6 =	vadd.f32 v16, v15  }
0x1e7: {  	[tilespmem:s24+$0x4050] =	vst v7  }
0x1e8: {  	s7 =	sadd.s32 $0x1100, s21;
	[tilespmem:s24+$0x4060] =	vst v6  }
0x1e9: {  	[hbm4b:s4+s17] =	stream.indirect.scatter [tilespmem:s6], [sflag:$0x6], $0x80, s7, s17, $0xb8;
	[tilespmem:$0x1A900] =	vst v63  }
0x1ea: {  	v6 =	vld [tilespmem:$0x1080];
	_ =	sdelay $0x4  }
0x1eb: {  	v7 =	vshll.u32 v6, $0x3  }
0x1ec: {  	v6 =	vand.u32 $0x7, v6;
	v7 =	vand.u32 $0xFFFFFFC0, v7  }
0x1ed: {  	v6 =	vor.u32 v6, v7  }
0x1ee: {  	v7 =	vperm.xlane v6, v1;
	_ =	sdelay $0x1  }
0x1ef: {  	v7 =	vadd.s32 v4, v7;
	_ =	sdelay $0x3  }
0x1f0: {  	s19 =	simm.s32 $0x0;
	s7 =	simm.s32 $0x6900  }
0x1f1: {  	[tilespmem:s7], [sflag:$0x2] =	stream.indirect_vreg.gather [hbm4b:s1+s19], $0x80, v7, vm0, $0xb8;
	[tilespmem:$0x1A900] =	vst v63  }
0x1f2: {  	s24 =	simm.s32 $0x7100;
	v6 =	vperm.xlane v6, v5  }
0x1f3: {  	[tilespmem:s24], [sflag:$0x2] =	stream.indirect_vreg.gather [hbm4b:s9+s19], $0x80, v7, vm0, $0xb8;
	[tilespmem:$0x1A900] =	vst v63  }
0x1f4: {  	s25 =	simm.s32 $0x7900;
	v6 =	vadd.s32 v4, v6  }
0x1f5: {  	[tilespmem:s25], [sflag:$0x2] =	stream.indirect_vreg.gather [hbm4b:s10+s19], $0x80, v7, vm0, $0xb8;
	[tilespmem:$0x1A900] =	vst v63  }
0x1f6: {  	s26 =	simm.s32 $0x8100  }
0x1f7: {  	[tilespmem:s26], [sflag:$0x2] =	stream.indirect_vreg.gather [hbm4b:s11+s19], $0x80, v7, vm0, $0xb8;
	[tilespmem:$0x1A900] =	vst v63  }
0x1f8: {  	s28 =	simm.s32 $0x8900  }
0x1f9: {  	[tilespmem:s28], [sflag:$0x2] =	stream.indirect_vreg.gather [hbm4b:s1+s19], $0x80, v6, vm0, $0xb8;
	[tilespmem:$0x1A900] =	vst v63  }
0x1fa: {  	s29 =	simm.s32 $0x9100  }
0x1fb: {  	[tilespmem:s29], [sflag:$0x2] =	stream.indirect_vreg.gather [hbm4b:s9+s19], $0x80, v6, vm0, $0xb8;
	[tilespmem:$0x1A900] =	vst v63  }
0x1fc: {  	s30 =	simm.s32 $0x9900  }
0x1fd: {  	[tilespmem:s30], [sflag:$0x2] =	stream.indirect_vreg.gather [hbm4b:s10+s19], $0x80, v6, vm0, $0xb8;
	[tilespmem:$0x1A900] =	vst v63  }
0x1fe: {  	s31 =	simm.s32 $0xA100  }
0x1ff: {  	[tilespmem:s31], [sflag:$0x2] =	stream.indirect_vreg.gather [hbm4b:s11+s19], $0x80, v6, vm0, $0xb8;
	[tilespmem:$0x1A900] =	vst v63  }
0x200: {  	v6 =	vld [tilespmem:$0x880];
	_ =	sdelay $0x4  }
0x201: {  	v7 =	vshll.u32 v6, $0x3  }
0x202: {  	v6 =	vand.u32 $0x7, v6;
	v7 =	vand.u32 $0xFFFFFFC0, v7  }
0x203: {  	v6 =	vor.u32 v6, v7  }
0x204: {  	v7 =	vperm.xlane v6, v1;
	_ =	sdelay $0x1  }
0x205: {  	v7 =	vadd.s32 v4, v7;
	_ =	sdelay $0x3  }
0x206: {  	s20 =	simm.s32 $0xE900  }
0x207: {  	[tilespmem:s20], [sflag:$0x4] =	stream.indirect_vreg.gather [hbm4b:s2+s19], $0x80, v7, vm0, $0xb8;
	[tilespmem:$0x1A900] =	vst v63  }
0x208: {  	s21 =	simm.s32 $0xF100;
	v6 =	vperm.xlane v6, v5  }
0x209: {  	[tilespmem:s21], [sflag:$0x4] =	stream.indirect_vreg.gather [hbm4b:s12+s19], $0x80, v7, vm0, $0xb8;
	[tilespmem:$0x1A900] =	vst v63  }
0x20a: {  	s22 =	simm.s32 $0xF900;
	v6 =	vadd.s32 v4, v6  }
0x20b: {  	[tilespmem:s22], [sflag:$0x4] =	stream.indirect_vreg.gather [hbm4b:s13+s19], $0x80, v7, vm0, $0xb8;
	[tilespmem:$0x1A900] =	vst v63  }
0x20c: {  	s23 =	simm.s32 $0x10100  }
0x20d: {  	[tilespmem:s23], [sflag:$0x4] =	stream.indirect_vreg.gather [hbm4b:s14+s19], $0x80, v7, vm0, $0xb8;
	[tilespmem:$0x1A900] =	vst v63  }
0x20e: {  	s24 =	simm.s32 $0x10900  }
0x20f: {  	[tilespmem:s24], [sflag:$0x4] =	stream.indirect_vreg.gather [hbm4b:s2+s19], $0x80, v6, vm0, $0xb8;
	[tilespmem:$0x1A900] =	vst v63  }
0x210: {  	s25 =	simm.s32 $0x11100  }
0x211: {  	[tilespmem:s25], [sflag:$0x4] =	stream.indirect_vreg.gather [hbm4b:s12+s19], $0x80, v6, vm0, $0xb8;
	[tilespmem:$0x1A900] =	vst v63  }
0x212: {  	s26 =	simm.s32 $0x11900  }
0x213: {  	[tilespmem:s26], [sflag:$0x4] =	stream.indirect_vreg.gather [hbm4b:s13+s19], $0x80, v6, vm0, $0xb8;
	[tilespmem:$0x1A900] =	vst v63  }
0x214: {  	s28 =	simm.s32 $0x12100  }
0x215: {  	[tilespmem:s28], [sflag:$0x4] =	stream.indirect_vreg.gather [hbm4b:s14+s19], $0x80, v6, vm0, $0xb8;
	[tilespmem:$0x1A900] =	vst v63  }
0x216: {  	_ =	swait.ge [sflag:s0], $0x4000  }
0x217: {  	[sflag:s0] =	ssyncset.done $0x0  }
0x218: {  	[sflag:s0] =	ssyncadd.s32 $0xFFFFC000  }
0x219: {  	_ =	swait.ge [sflag:s3], $0x4000  }
0x21a: {  	s29 =	simm.s32 $0x0;
	[sflag:s3] =	ssyncset.done $0x0  }
0x21b: {  	s20 =	sand.u32 $0x2000, s29;
	[sflag:s3] =	ssyncadd.s32 $0xFFFFC000  }
0x21c: {  	s21 =	sand.u32 $0x1C00, s19;
	s22 =	simm.s32 $0x0;
	_ =	swait.ge [sflag:s5], $0x4000  }
0x21d: {  	s20 =	sor.u32 s21, s20;
	s30 =	sand.u32 $0x380, s22;
	[sflag:s5] =	ssyncset.done $0x0  }
0x21e: {  	s20 =	sor.u32 s30, s20;
	[sflag:s5] =	ssyncadd.s32 $0xFFFFC000  }
0x21f: {  	v7 =	vld [tilespmem:s20+$0x2970]  }
0x220: {  	v8 =	vld [tilespmem:s20+$0xA970]  }
0x221: {  	v9 =	vld [tilespmem:s20+$0x2900]  }
0x222: {  	v11 =	vld [tilespmem:s20+$0xA900]  }
0x223: {  	v12 =	vld [tilespmem:s20+$0x2910]  }
0x224: {  	v13 =	vld [tilespmem:s20+$0xA910]  }
0x225: {  	s7 =	sand.u32 $0x3FFFFC00, s29;
	s31 =	sand.u32 $0x380, s19;
	v6 =	vld [tilespmem:s20+$0x2920]  }
0x226: {  	s7 =	sor.u32 s31, s7;
	v10 =	vld [tilespmem:s20+$0xA920];
	v8 =	vadd.f32 v8, v7  }
0x227: {  	s21 =	sadd.s32 $0x12900, s7;
	v11 =	vadd.f32 v11, v9;
	v7 =	vld [tilespmem:s20+$0x2930]  }
0x228: {  	v9 =	vld [tilespmem:s20+$0xA930];
	[tilespmem:s21+$0x70] =	vst v8  }
0x229: {  	s22 =	simm.s32 $0x0;
	s23 =	simm.s32 $0x0;
	[tilespmem:s7+$0x12900] =	vst v11;
	v11 =	vadd.f32 v13, v12;
	v8 =	vld [tilespmem:s20+$0x2940]  }
.LBB2_16:
0x22a: {  	s22 =	sadd.s32 $0x8, s22;
	v12 =	vld [tilespmem:s20+$0xA940]  }
0x22b: {  	s19 =	sadd.s32 $0x400, s19;
	s7 =	sshll.u32 s22, $0x4;
	p1 =	slt.u32 s22, $0x3F8;
	[tilespmem:s21+$0x10] =	vst v11;
	v6 =	vadd.f32 v10, v6;
	v10 =	vld [tilespmem:s20+$0x2950]  }
0x22c: {  	s25 =	sand.u32 $0x1C00, s19;
	s26 =	sshll.u32 s22, $0x1;
	s24 =	sand.u32 $0x2000, s7;
	v11 =	vld [tilespmem:s20+$0xA950]  }
0x22d: {  	s24 =	sor.u32 s25, s24;
	s25 =	sand.u32 $0x380, s26;
	[tilespmem:s21+$0x20] =	vst v6;
	v6 =	vadd.f32 v9, v7;
	v7 =	vld [tilespmem:s20+$0x2960]  }
0x22e: {  	v9 =	vld [tilespmem:s20+$0xA960];
	s20 =	sor.u32 s25, s24  }
0x22f: {  	v13 =	vld [tilespmem:s20+$0x2970];
	[tilespmem:s21+$0x30] =	vst v6;
	v6 =	vadd.f32 v12, v8  }
0x230: {  	v8 =	vld [tilespmem:s20+$0xA970]  }
0x231: {  	v12 =	vld [tilespmem:s20+$0x2900];
	[tilespmem:s21+$0x40] =	vst v6;
	v6 =	vadd.f32 v11, v10  }
0x232: {  	v11 =	vld [tilespmem:s20+$0xA900]  }
0x233: {  	s23 =	sadd.s32 $0x80, s23;
	v14 =	vld [tilespmem:s20+$0x2910];
	[tilespmem:s21+$0x50] =	vst v6;
	v7 =	vadd.f32 v9, v7  }
0x234: {  	s7 =	sand.u32 $0x3FFFFC00, s7;
	s24 =	sand.u32 $0x380, s23;
	v15 =	vld [tilespmem:s20+$0xA910]  }
.Ltmp9:
0x235: {  	s7 =	sor.u32 s24, s7;
	v6 =	vld [tilespmem:s20+$0x2920];
	v8 =	vadd.f32 v8, v13;
	[tilespmem:s21+$0x60] =	vst v7;
	(pc) =	sbr.rel @p1 .LBB2_16-.Ltmp9, $4  }
0x236: {  	s21 =	sadd.s32 $0x12900, s7;
	v10 =	vld [tilespmem:s20+$0xA920]  }
0x237: {  	v11 =	vadd.f32 v11, v12;
	v7 =	vld [tilespmem:s20+$0x2930];
	[tilespmem:s21+$0x70] =	vst v8  }
0x238: {  	v9 =	vld [tilespmem:s20+$0xA930]  }
0x239: {  	[tilespmem:s7+$0x12900] =	vst v11;
	v11 =	vadd.f32 v15, v14;
	v8 =	vld [tilespmem:s20+$0x2940]  }
0x23a: {  	v12 =	vld [tilespmem:s20+$0xA940]  }
0x23b: {  	v13 =	vld [tilespmem:s20+$0x2950]  }
0x23c: {  	v14 =	vld [tilespmem:s20+$0xA950]  }
0x23d: {  	v15 =	vld [tilespmem:s20+$0x2960]  }
0x23e: {  	v16 =	vld [tilespmem:s20+$0xA960]  }
0x23f: {  	v6 =	vadd.f32 v10, v6  }
0x240: {  	[tilespmem:s21+$0x10] =	vst v11;
	v7 =	vadd.f32 v9, v7  }
0x241: {  	[tilespmem:s21+$0x20] =	vst v6;
	v6 =	vadd.f32 v12, v8  }
0x242: {  	[tilespmem:s21+$0x30] =	vst v7;
	v7 =	vadd.f32 v14, v13  }
0x243: {  	[tilespmem:s21+$0x40] =	vst v6;
	v6 =	vadd.f32 v16, v15  }
0x244: {  	[tilespmem:s21+$0x50] =	vst v7  }
0x245: {  	s7 =	simm.s32 $0x12900;
	s19 =	simm.s32 $0x1800;
	[tilespmem:s21+$0x60] =	vst v6  }
0x246: {  	[hbm4b:s4+s17] =	stream.indirect.scatter [tilespmem:s7], [sflag:$0x5], $0x80, s19, s17, $0xb8;
	[tilespmem:$0x1A900] =	vst v63  }
0x247: {  	_ =	swait.ge [sflag:s8], $0x4000  }
0x248: {  	[sflag:s8] =	ssyncset.done $0x0  }
0x249: {  	[sflag:s8] =	ssyncadd.s32 $0xFFFFC000  }
0x24a: {  	_ =	swait.ge [sflag:s16], $0x4000  }
0x24b: {  	s26 =	simm.s32 $0x0;
	[sflag:s16] =	ssyncset.done $0x0  }
0x24c: {  	s22 =	simm.s32 $0x0;
	s19 =	simm.s32 $0x0;
	[sflag:s16] =	ssyncadd.s32 $0xFFFFC000  }
0x24d: {  	s28 =	sand.u32 $0x2000, s26;
	s29 =	sand.u32 $0x1C00, s19;
	_ =	swait.ge [sflag:s18], $0x4000  }
0x24e: {  	s30 =	sand.u32 $0x380, s22;
	s20 =	sor.u32 s29, s28;
	[sflag:s18] =	ssyncset.done $0x0  }
0x24f: {  	s20 =	sor.u32 s30, s20;
	[sflag:s18] =	ssyncadd.s32 $0xFFFFC000  }
0x250: {  	v7 =	vld [tilespmem:s20+$0x6970]  }
0x251: {  	v8 =	vld [tilespmem:s20+$0xE970]  }
0x252: {  	v9 =	vld [tilespmem:s20+$0x6900]  }
0x253: {  	v11 =	vld [tilespmem:s20+$0xE900]  }
0x254: {  	v62 =	vld [tilespmem:s20+$0x6910]  }
0x255: {  	v63 =	vld [tilespmem:s20+$0xE910]  }
0x256: {  	s7 =	sand.u32 $0x3FFFFC00, s26;
	s31 =	sand.u32 $0x380, s19;
	v6 =	vld [tilespmem:s20+$0x6920]  }
0x257: {  	s7 =	sor.u32 s31, s7;
	v10 =	vld [tilespmem:s20+$0xE920];
	v8 =	vadd.f32 v8, v7  }
0x258: {  	s21 =	sadd.s32 $0x12900, s7;
	v11 =	vadd.f32 v11, v9;
	v7 =	vld [tilespmem:s20+$0x6930]  }
0x259: {  	v9 =	vld [tilespmem:s20+$0xE930];
	[tilespmem:s21+$0x4070] =	vst v8  }
0x25a: {  	s23 =	simm.s32 $0x0;
	s22 =	simm.s32 $0x0;
	[tilespmem:s21+$0x4000] =	vst v11;
	v11 =	vadd.f32 v63, v62;
	v8 =	vld [tilespmem:s20+$0x6940]  }
.LBB2_18:
0x25b: {  	s22 =	sadd.s32 $0x8, s22;
	v12 =	vld [tilespmem:s20+$0xE940]  }
0x25c: {  	s19 =	sadd.s32 $0x400, s19;
	s7 =	sshll.u32 s22, $0x4;
	p1 =	slt.u32 s22, $0x3F8;
	[tilespmem:s21+$0x4010] =	vst v11;
	v6 =	vadd.f32 v10, v6;
	v10 =	vld [tilespmem:s20+$0x6950]  }
0x25d: {  	s25 =	sand.u32 $0x1C00, s19;
	s26 =	sshll.u32 s22, $0x1;
	s24 =	sand.u32 $0x2000, s7;
	v11 =	vld [tilespmem:s20+$0xE950]  }
0x25e: {  	s24 =	sor.u32 s25, s24;
	s25 =	sand.u32 $0x380, s26;
	[tilespmem:s21+$0x4020] =	vst v6;
	v6 =	vadd.f32 v9, v7;
	v7 =	vld [tilespmem:s20+$0x6960]  }
0x25f: {  	v9 =	vld [tilespmem:s20+$0xE960];
	s20 =	sor.u32 s25, s24  }
0x260: {  	v13 =	vld [tilespmem:s20+$0x6970];
	[tilespmem:s21+$0x4030] =	vst v6;
	v6 =	vadd.f32 v12, v8  }
0x261: {  	v8 =	vld [tilespmem:s20+$0xE970]  }
0x262: {  	v12 =	vld [tilespmem:s20+$0x6900];
	[tilespmem:s21+$0x4040] =	vst v6;
	v6 =	vadd.f32 v11, v10  }
0x263: {  	v11 =	vld [tilespmem:s20+$0xE900]  }
0x264: {  	s23 =	sadd.s32 $0x80, s23;
	v14 =	vld [tilespmem:s20+$0x6910];
	[tilespmem:s21+$0x4050] =	vst v6;
	v7 =	vadd.f32 v9, v7  }
0x265: {  	s7 =	sand.u32 $0x3FFFFC00, s7;
	s24 =	sand.u32 $0x380, s23;
	v15 =	vld [tilespmem:s20+$0xE910]  }
.Ltmp10:
0x266: {  	s7 =	sor.u32 s24, s7;
	v6 =	vld [tilespmem:s20+$0x6920];
	v8 =	vadd.f32 v8, v13;
	[tilespmem:s21+$0x4060] =	vst v7;
	(pc) =	sbr.rel @p1 .LBB2_18-.Ltmp10, $4  }
0x267: {  	s21 =	sadd.s32 $0x12900, s7;
	v10 =	vld [tilespmem:s20+$0xE920]  }
0x268: {  	v11 =	vadd.f32 v11, v12;
	v7 =	vld [tilespmem:s20+$0x6930];
	[tilespmem:s21+$0x4070] =	vst v8  }
0x269: {  	v9 =	vld [tilespmem:s20+$0xE930]  }
0x26a: {  	[tilespmem:s21+$0x4000] =	vst v11;
	v11 =	vadd.f32 v15, v14;
	v8 =	vld [tilespmem:s20+$0x6940]  }
0x26b: {  	v12 =	vld [tilespmem:s20+$0xE940]  }
0x26c: {  	v13 =	vld [tilespmem:s20+$0x6950]  }
0x26d: {  	v14 =	vld [tilespmem:s20+$0xE950]  }
0x26e: {  	v15 =	vld [tilespmem:s20+$0x6960]  }
0x26f: {  	v16 =	vld [tilespmem:s20+$0xE960]  }
0x270: {  	v6 =	vadd.f32 v10, v6  }
0x271: {  	[tilespmem:s21+$0x4010] =	vst v11;
	v7 =	vadd.f32 v9, v7  }
0x272: {  	[tilespmem:s21+$0x4020] =	vst v6;
	v6 =	vadd.f32 v12, v8  }
0x273: {  	[tilespmem:s21+$0x4030] =	vst v7;
	v7 =	vadd.f32 v14, v13  }
0x274: {  	[tilespmem:s21+$0x4040] =	vst v6;
	v6 =	vadd.f32 v16, v15  }
0x275: {  	[tilespmem:s21+$0x4050] =	vst v7  }
0x276: {  	s7 =	simm.s32 $0x1880;
	[tilespmem:s21+$0x4060] =	vst v6  }
0x277: {  	[hbm4b:s4+s17] =	stream.indirect.scatter [tilespmem:s6], [sflag:$0x6], $0x80, s7, s17, $0xb8;
	[tilespmem:$0x1A900] =	vst v63  }
0x278: {  	_ =	swait.ge [sflag:s5], $0x4000  }
.Ltmp11:
0x279: {  	[sflag:s5] =	ssyncset.done $0x0;
	(pc) =	sbr.rel @p0 .LBB2_23-.Ltmp11, $4  }
0x27a: {  	[sflag:s5] =	ssyncadd.s32 $0xFFFFC000  }
0x27b: {  	_ =	swait.ge [sflag:s18], $0x4000  }
0x27c: {  	[sflag:s18] =	ssyncset.done $0x0  }
0x27d: {  	s19 =	rddreg [dreg:$0x9];
	[sflag:s18] =	ssyncadd.s32 $0xFFFFC000  }
0x27e: {  	s7 =	simm.s32 $0x7  }
0x27f: {  	_ =	swait.ge [sflag:s7], $0x400  }
0x280: {  	[sflag:s7] =	ssyncset.done $0x0  }
0x281: {  	[sflag:s7] =	ssyncadd.s32 $0xFFFFFC00  }
0x282: {  	_ =	swait.ge [sflag:s7], $0x400  }
0x283: {  	[sflag:s7] =	ssyncset.done $0x0  }
0x284: {  	s25 =	simm.s32 $0x0;
	[sflag:s7] =	ssyncadd.s32 $0xFFFFFC00  }
0x285: {  	v6 =	vld [tilespmem:s25+$0x1930]  }
0x286: {  	v7 =	vld [tilespmem:s25+$0x1D30]  }
0x287: {  	v8 =	vld [tilespmem:s25+$0x1900]  }
0x288: {  	v9 =	vld [tilespmem:s25+$0x1D00]  }
0x289: {  	s20 =	simm.s32 $0x0;
	v10 =	vld [tilespmem:s25+$0x1910]  }
0x28a: {  	s19 =	sand.u32 $0xE00, s20;
	v11 =	vld [tilespmem:s25+$0x1D10]  }
0x28b: {  	s21 =	simm.s32 $0x30;
	s19 =	sshrl.u32 s19, $0x2;
	v12 =	vld [tilespmem:s25+$0x1920]  }
0x28c: {  	s21 =	sand.u32 $0x70, s21;
	s22 =	sadd.s32 $0x2100, s19;
	s19 =	simm.s32 $0x40;
	v13 =	vld [tilespmem:s25+$0x1D20];
	v7 =	vadd.f32 v7, v6  }
0x28d: {  	s26 =	sor.u32 s21, s22;
	v14 =	vld [tilespmem:s19+$0x1930]  }
0x28e: {  	s28 =	simm.s32 $0x10;
	s23 =	simm.s32 $0x100;
	s20 =	sand.u32 $0x40, s20;
	v15 =	vld [tilespmem:s19+$0x1D30];
	v8 =	vadd.f32 v9, v8;
	[tilespmem:s26+$0x400] =	vst v7  }
0x28f: {  	s24 =	simm.s32 $0x20;
	s31 =	simm.s32 $0x70;
	s20 =	sor.u32 s20, s22;
	v6 =	vld [tilespmem:s19+$0x1900];
	[tilespmem:s26+$0x0] =	vst v7  }
0x290: {  	s29 =	sand.u32 $0x60, s24;
	s30 =	sand.u32 $0xE00, s23;
	s25 =	sand.u32 $0x50, s28;
	v16 =	vadd.f32 v11, v10;
	v9 =	vld [tilespmem:s19+$0x1D00];
	[tilespmem:s20+$0x0] =	vst v8  }
0x291: {  	s24 =	simm.s32 $0x200;
	s7 =	sshrl.u32 s30, $0x2;
	s28 =	sor.u32 s25, s22;
	v10 =	vld [tilespmem:s19+$0x1D10];
	[tilespmem:s20+$0x400] =	vst v8  }
0x292: {  	s21 =	simm.s32 $0x4;
	s23 =	sadd.s32 $0x2100, s7;
	s22 =	sor.u32 s29, s22;
	v11 =	vadd.f32 v13, v12;
	v7 =	vld [tilespmem:s19+$0x1910];
	[tilespmem:s28+$0x0] =	vst v16  }
0x293: {  	s25 =	simm.s32 $0x50;
	v12 =	vadd.f32 v15, v14;
	s20 =	simm.s32 $0x40;
	v8 =	vld [tilespmem:s19+$0x1920];
	s26 =	sand.u32 $0x70, s31;
	[tilespmem:s28+$0x400] =	vst v16  }
.LBB2_21:
0x294: {  	s7 =	sadd.s32 $0x20, s20;
	v13 =	vld [tilespmem:s19+$0x1D20];
	s19 =	sshra.s32 s24, $0x2;
	s26 =	sor.u32 s26, s23;
	[tilespmem:s22+$0x0] =	vst v11  }
0x295: {  	s21 =	sadd.s32 $0x4, s21;
	s25 =	sand.u32 $0x50, s25;
	v14 =	vld [tilespmem:s19+$0x1930];
	v15 =	vadd.f32 v9, v6;
	s7 =	sand.u32 $0x60, s7;
	[tilespmem:s26+$0x400] =	vst v12  }
0x296: {  	s28 =	sand.u32 $0x40, s20;
	p1 =	slt.u32 s21, $0x3C;
	s29 =	sor.u32 s25, s23;
	v16 =	vld [tilespmem:s19+$0x1D30];
	[tilespmem:s22+$0x400] =	vst v11  }
.Ltmp12:
0x297: {  	s25 =	sor.u32 s28, s23;
	s22 =	sor.u32 s7, s23;
	v6 =	vld [tilespmem:s19+$0x1900];
	v17 =	vadd.f32 v10, v7;
	[tilespmem:s26+$0x0] =	vst v12;
	(pc) =	sbr.rel @p1 .LBB2_21-.Ltmp12, $4  }
0x298: {  	v9 =	vld [tilespmem:s19+$0x1D00];
	[tilespmem:s25+$0x0] =	vst v15  }
0x299: {  	s20 =	sadd.s32 $0x40, s20;
	s7 =	sand.u32 $0xE00, s24;
	v7 =	vld [tilespmem:s19+$0x1910];
	[tilespmem:s25+$0x400] =	vst v15;
	v11 =	vadd.f32 v13, v8  }
0x29a: {  	s7 =	sshrl.u32 s7, $0x2;
	s26 =	sadd.s32 $0x30, s20;
	s25 =	sadd.s32 $0x10, s20;
	v10 =	vld [tilespmem:s19+$0x1D10];
	[tilespmem:s29+$0x0] =	vst v17  }
0x29b: {  	s24 =	sadd.s32 $0x100, s24;
	s23 =	sadd.s32 $0x2100, s7;
	s26 =	sand.u32 $0x70, s26;
	v8 =	vld [tilespmem:s19+$0x1920];
	v12 =	vadd.f32 v16, v14;
	[tilespmem:s29+$0x400] =	vst v17  }
0x29c: {  	[tilespmem:s22+$0x0] =	vst v11  }
0x29d: {  	s7 =	sor.u32 s26, s23;
	v13 =	vld [tilespmem:s19+$0x1D20];
	[tilespmem:s22+$0x400] =	vst v11  }
0x29e: {  	s24 =	sand.u32 $0x40, s20;
	[tilespmem:s7+$0x400] =	vst v12;
	v6 =	vadd.f32 v9, v6  }
0x29f: {  	s19 =	sor.u32 s24, s23;
	[tilespmem:s7+$0x0] =	vst v12  }
0x2a0: {  	s25 =	sand.u32 $0x50, s25;
	v7 =	vadd.f32 v10, v7;
	[tilespmem:s19+$0x0] =	vst v6  }
0x2a1: {  	s26 =	sadd.s32 $0x20, s20;
	s7 =	sor.u32 s25, s23;
	[tilespmem:s19+$0x400] =	vst v6  }
0x2a2: {  	s28 =	sand.u32 $0x60, s26;
	v6 =	vadd.f32 v13, v8;
	[tilespmem:s7+$0x0] =	vst v7  }
0x2a3: {  	s19 =	sor.u32 s28, s23;
	[tilespmem:s7+$0x400] =	vst v7  }
0x2a4: {  	s29 =	simm.s32 $0x0;
	[tilespmem:s19+$0x0] =	vst v6  }
.Ltmp13:
0x2a5: {  	s30 =	simm.s32 $0x2100;
	s31 =	simm.s32 $0x7;
	[tilespmem:s19+$0x400] =	vst v6;
	(pc) =	sbr.rel .LBB2_23-.Ltmp13, $4  }
0x2a6: {  	[hbm4b:s4+s29] =	stream.indirect_vreg.scatter [tilespmem:s30], [sflag:$0x7], $0x80, v2, vm0, $0xb8;
	[tilespmem:$0x1A900] =	vst v63  }
0x2a7: {  	_ =	swait.ge [sflag:s31], $0x800  }
0x2a8: {  	[sflag:s31] =	ssyncset.done $0x0  }
0x2a9: {  	s19 =	rddreg [dreg:$0x9];
	[sflag:s31] =	ssyncadd.s32 $0xFFFFF800  }
.LBB2_24:
0x2aa: {  	_ =	sfence.sel $0x180000  }
0x2ab: {  	[bflag:$0x0] =	sbarrier.arrive $0xFFFF  }
0x2ac: {  	_ =	strace $0x90000047  }
0x2ad: {  	s0 =	stileid.u32;
	[bflag:$0x2] =	sbarrier.arrive $0xFFFF  }
0x2ae: {  	p0 =	sne.s32 s0, $0x0;
	s0 =	rddreg [dreg:$0x4]  }
0x2af: {  	s0 =	sadd.s32 @!p0 $0x100000, s0  }
0x2b0: {  	[sflag:s0] =	ssyncadd.tile.s32 @!p0 $0x1;
	_ =	shalt  }
.Lfunc_end2:
_tile_overlayer_lowered:
.L_overlay_start_2:
0x2b1: {  	(tag) =	ssettag $0x2  }
0x2b2: {  	s0 =	rddreg [dreg:$0x0];
	s2 =	stileid.u32  }
0x2b3: {  	s1 =	rddreg [dreg:$0x1];
	p0 =	sne.s32 s2, $0x0  }
0x2b4: {  	s3 =	rddreg [dreg:$0x2];
	[bflag:$0x3] =	sbarrier.arrive $0xFFFF;
	s2 =	simm.s32 @!p0 $0x1C09  }
0x2b5: {  	[timem:s3], [sflag:s2] =	dma.local @!p0 [hbm:s0], s1  }
0x2b6: {  	s0 =	simm.s32 @!p0 $0x9  }
0x2b7: {  	_ =	swait.ge @!p0 [sflag:s0], s1  }
0x2b8: {  	s1 =	ssub.s32 @!p0 $0x0, s1;
	[sflag:s0] =	ssyncset.done @!p0 $0x0  }
0x2b9: {  	[sflag:s0] =	ssyncadd.s32 @!p0 s1  }
0x2ba: {  	[bflag:$0x3] =	sbarrier.arrive $0xFFFF  }
0x2bb: {  	_ =	shalt  }

</sc_bundles>
